<compile_context>
chip_gen: v7x
topology: tpu7x:2x2x1
jax: 0.10.2.dev20260603
libtpu: 0.0.44.dev20260713+nightly
codegen_flags: <defaults>
</compile_context>

<pallas_src>
import jax
import jax.numpy as jnp
from jax import lax
from jax.experimental import pallas as pl
from jax.experimental.pallas import tpu as pltpu
from jax.experimental.pallas import tpu_sc as plsc

N_ROWS = 320000
N_COLS = 128
N_GROUPS = 10000
HALF_G = N_GROUPS // 2
ACC_H = 5056
CHUNK = 128
N_CHUNKS = N_ROWS // CHUNK
NC, NS = 2, 16
STRIPE = 320
L = 16
SEARCH_STEPS = 12


def _sc_body(x_hbm, grp_hbm, zx_hbm, ones_hbm, psum_hbm, pcnt_hbm,
             xb0, xb1, onesbuf, ib0, ib1, i2b0, i2b1, acc, cnt,
             semx0, semx1, sems0, semc0, sems1, semc1):
    cid = lax.axis_index("c")
    sid = lax.axis_index("s")
    lo = cid * HALF_G
    hi = lo + HALF_G

    pltpu.sync_copy(zx_hbm, xb0)
    base = jnp.minimum(sid * STRIPE, ACC_H - STRIPE)
    for off, n in ((0, 128), (128, 128), (256, 64)):
        r0 = base + off
        pltpu.sync_copy(xb0.at[pl.ds(0, n)], acc.at[pl.ds(r0, n)])
        pltpu.sync_copy(xb0.at[pl.ds(0, n)], cnt.at[pl.ds(r0, n)])
    pltpu.sync_copy(ones_hbm, onesbuf)

    def sbody(_, carry):
        s_lo, s_hi = carry
        mid = lax.div(s_lo + s_hi, 2)
        pltpu.sync_copy(grp_hbm.at[pl.ds(mid * CHUNK, L)], ib0.at[pl.ds(0, L)])
        v = ib0[pl.ds(0, L)][0]
        p = v >= HALF_G
        return jnp.where(p, s_lo, mid + 1), jnp.where(p, mid, s_hi)

    _, cb = lax.fori_loop(0, SEARCH_STEPS, sbody, (0, N_CHUNKS))
    start = jnp.where(cid == 0, 0, jnp.maximum(cb - 1, 0))
    end = jnp.where(cid == 0, cb, N_CHUNKS)
    start_c = start + sid
    n = jnp.maximum(0, lax.div(end - start_c + (NS - 1), NS))

    plsc.subcore_barrier()

    def cofs(i):
        return (start_c + NS * i) * CHUNK

    def cofs_clamped(i):
        return (start_c + NS * jnp.minimum(i, n - 1)) * CHUNK

    def remap(ib, i2b):
        for j in range(CHUNK // L):
            v = ib[pl.ds(j * L, L)]
            in_range = jnp.logical_and(v >= lo, v < hi)
            i2b[pl.ds(j * L, L)] = jnp.where(in_range, v - lo, HALF_G)

    def scatter(xb, i2b, ss, sc_):
        hs = pltpu.async_copy(xb, acc.at[i2b], ss, add=True)
        pltpu.async_copy(onesbuf, cnt.at[i2b], sc_, add=True)
        return hs

    def wait_gather(xb, sem):
        pltpu.make_async_copy(x_hbm.at[pl.ds(0, CHUNK)], xb, sem).wait()

    def wait_ones(i2b, sem):
        pltpu.make_async_copy(onesbuf, cnt.at[i2b], sem).wait()

    @pl.when(n > 0)
    def _():
        r0 = cofs(0)
        r1 = cofs_clamped(1)
        pltpu.sync_copy(grp_hbm.at[pl.ds(r0, CHUNK)], ib0)
        pltpu.sync_copy(grp_hbm.at[pl.ds(r1, CHUNK)], ib1)
        pltpu.async_copy(x_hbm.at[pl.ds(r0, CHUNK)], xb0, semx0)
        pltpu.async_copy(x_hbm.at[pl.ds(r1, CHUNK)], xb1, semx1)

        def body(k, carry):
            @pl.when(k > 0)
            def _():
                wait_ones(i2b0, semc0)
                wait_ones(i2b1, semc1)

            remap(ib0, i2b0)
            remap(ib1, i2b1)
            wait_gather(xb0, semx0)
            h0 = scatter(xb0, i2b0, sems0, semc0)
            wait_gather(xb1, semx1)
            h1 = scatter(xb1, i2b1, sems1, semc1)
            ra = cofs_clamped(2 * k + 2)
            rb = cofs_clamped(2 * k + 3)
            pltpu.sync_copy(grp_hbm.at[pl.ds(ra, CHUNK)], ib0)
            pltpu.sync_copy(grp_hbm.at[pl.ds(rb, CHUNK)], ib1)
            h0.wait()
            pltpu.async_copy(x_hbm.at[pl.ds(ra, CHUNK)], xb0, semx0)
            h1.wait()
            pltpu.async_copy(x_hbm.at[pl.ds(rb, CHUNK)], xb1, semx1)
            return carry

        nt = lax.div(n, 2)
        lax.fori_loop(0, nt, body, 0)

        wait_gather(xb0, semx0)
        wait_gather(xb1, semx1)

        @pl.when(nt > 0)
        def _():
            wait_ones(i2b0, semc0)
            wait_ones(i2b1, semc1)

        @pl.when(lax.rem(n, 2) == 1)
        def _():
            remap(ib0, i2b0)
            h = scatter(xb0, i2b0, sems0, semc0)
            h.wait()
            wait_ones(i2b0, semc0)

    plsc.subcore_barrier()

    r0 = jnp.minimum(sid * STRIPE, ACC_H - STRIPE)
    pltpu.sync_copy(acc.at[pl.ds(r0, STRIPE)],
                    psum_hbm.at[pl.ds(cid * ACC_H + r0, STRIPE)])
    pltpu.sync_copy(cnt.at[pl.ds(r0, STRIPE)],
                    pcnt_hbm.at[pl.ds(cid * ACC_H + r0, STRIPE)])


def _merge_body(ps_ref, pc_ref, out_ref):
    out_ref[...] = ps_ref[0] / pc_ref[0]


def kernel(x, group):
    grp = group.astype(jnp.int32)
    zx = jnp.zeros((CHUNK, N_COLS), jnp.float32)
    ones = jnp.ones((CHUNK, N_COLS), jnp.float32)

    sc = pl.kernel(
        _sc_body,
        out_type=(
            jax.ShapeDtypeStruct((NC * ACC_H, N_COLS), jnp.float32),
            jax.ShapeDtypeStruct((NC * ACC_H, N_COLS), jnp.float32),
        ),
        mesh=plsc.VectorSubcoreMesh(core_axis_name="c", subcore_axis_name="s"),
        scratch_types=[
            pltpu.VMEM((CHUNK, N_COLS), jnp.float32),
            pltpu.VMEM((CHUNK, N_COLS), jnp.float32),
            pltpu.VMEM((CHUNK, N_COLS), jnp.float32),
            pltpu.VMEM((CHUNK,), jnp.int32),
            pltpu.VMEM((CHUNK,), jnp.int32),
            pltpu.VMEM((CHUNK,), jnp.int32),
            pltpu.VMEM((CHUNK,), jnp.int32),
            pltpu.VMEM_SHARED((ACC_H, N_COLS), jnp.float32),
            pltpu.VMEM_SHARED((ACC_H, N_COLS), jnp.float32),
            pltpu.SemaphoreType.DMA,
            pltpu.SemaphoreType.DMA,
            pltpu.SemaphoreType.DMA,
            pltpu.SemaphoreType.DMA,
            pltpu.SemaphoreType.DMA,
            pltpu.SemaphoreType.DMA,
        ],
    )
    psum, pcnt = sc(x, grp, zx, ones)
    psum = psum.reshape(NC, ACC_H, N_COLS)
    pcnt = pcnt.reshape(NC, ACC_H, N_COLS)

    nblk = 10
    blk = N_GROUPS // nblk
    out = pl.pallas_call(
        _merge_body,
        grid=(nblk,),
        in_specs=[
            pl.BlockSpec((1, blk, N_COLS), lambda i: (i // 5, i % 5, 0)),
            pl.BlockSpec((1, blk, N_COLS), lambda i: (i // 5, i % 5, 0)),
        ],
        out_specs=pl.BlockSpec((blk, N_COLS), lambda i: (i, 0)),
        out_shape=jax.ShapeDtypeStruct((N_GROUPS, N_COLS), jnp.float32),
    )(psum, pcnt)
    return out

# --- scband reference (transcript-rebuilt; emitter-appended) ---
"""Pipeline reference for scband-group-pool-2869038153934 (READ-ONLY COPY).

The authoritative reference and input builder live on the scoring server;
editing this copy changes nothing except your own understanding.
"""

import jax, jax.numpy as jnp
import numpy as np


def setup_inputs(seed: int = 0) -> dict:
    key = jax.random.key(seed)
    k1, k2 = jax.random.split(key)
    x = jax.random.normal(k1, (320000, 128), dtype=jnp.float32)
    group = jnp.sort(jax.random.randint(k2, (320000,), 0, 10000, dtype=jnp.int64))
    return {"x": x, "group": group}


def reference(x, group):
    # Faithful to GroupPool(pool_type='avg_pool'):
    # for each unique group id (in sorted order, as torch.unique returns sorted),
    # compute the mean of the rows of x belonging to that group.
    groups, inv = jnp.unique(group, return_inverse=True, size=10000, fill_value=0)
    num_groups = groups.shape[0]
    sums = jax.ops.segment_sum(x, inv, num_segments=num_groups)
    counts = jax.ops.segment_sum(jnp.ones((x.shape[0],), dtype=x.dtype), inv, num_segments=num_groups)
    return sums / counts[:, None]

if __name__ == "__main__":
    import jax
    _d = setup_inputs()
    print(jax.jit(kernel)(*tuple(_d.values())))

</pallas_src>

<mosaic_0001>
#map = affine_map<(d0, d1) -> (0, 0)>
#map1 = affine_map<(d0, d1) -> (0)>
module attributes {stable_mosaic.version = 14 : i64} {
  func.func @_sc_body(%arg0: i32, %arg1: i32, %arg2: memref<320000x128xf32, #tpu.memory_space<hbm>>, %arg3: memref<320000xi32, #tpu.memory_space<hbm>>, %arg4: memref<128x128xf32, #tpu.memory_space<hbm>>, %arg5: memref<128x128xf32, #tpu.memory_space<hbm>>, %arg6: memref<10112x128xf32, #tpu.memory_space<hbm>>, %arg7: memref<10112x128xf32, #tpu.memory_space<hbm>>, %arg8: memref<128x128xf32, #tpu.memory_space<vmem>>, %arg9: memref<128x128xf32, #tpu.memory_space<vmem>>, %arg10: memref<128x128xf32, #tpu.memory_space<vmem>>, %arg11: memref<128xi32, #tpu.memory_space<vmem>>, %arg12: memref<128xi32, #tpu.memory_space<vmem>>, %arg13: memref<128xi32, #tpu.memory_space<vmem>>, %arg14: memref<128xi32, #tpu.memory_space<vmem>>, %arg15: memref<5056x128xf32, #tpu.memory_space<vmem_shared>>, %arg16: memref<5056x128xf32, #tpu.memory_space<vmem_shared>>, %arg17: memref<!tpu.dma_semaphore, #tpu.memory_space<semaphore_mem>>, %arg18: memref<!tpu.dma_semaphore, #tpu.memory_space<semaphore_mem>>, %arg19: memref<!tpu.dma_semaphore, #tpu.memory_space<semaphore_mem>>, %arg20: memref<!tpu.dma_semaphore, #tpu.memory_space<semaphore_mem>>, %arg21: memref<!tpu.dma_semaphore, #tpu.memory_space<semaphore_mem>>, %arg22: memref<!tpu.dma_semaphore, #tpu.memory_space<semaphore_mem>>) attributes {dimension_semantics = [#tpu.dimension_semantics<core_parallel>, #tpu.dimension_semantics<subcore_parallel>], iteration_bounds = array<i64: 2, 16>, scalar_prefetch = 0 : i64, scratch_operands = 15 : i64, tpu.core_type = #tpu.core_type<sc_vector_subcore>, window_params = [{transform_indices = #map}, {transform_indices = #map1}, {transform_indices = #map}, {transform_indices = #map}, {transform_indices = #map}, {transform_indices = #map}]} {
    %mul3A = arith.constant 5000 : i32
    %mul3A_0 = arith.muli %arg0, %mul3A : i32
    %add3A = arith.constant 5000 : i32
    %add3A_1 = arith.addi %mul3A_0, %add3A : i32
    "tpu.region"() ({
      %run_scoped3A = tpu.sem_alloc : memref<!tpu.dma_semaphore, #tpu.memory_space<semaphore_mem>>
      tpu.enqueue_dma source(%arg4 : memref<128x128xf32, #tpu.memory_space<hbm>>) target(%arg8 : memref<128x128xf32, #tpu.memory_space<vmem>>) target_semaphore(%run_scoped3A : memref<!tpu.dma_semaphore, #tpu.memory_space<semaphore_mem>>)
      tpu.wait_dma2 semaphore(%run_scoped3A : memref<!tpu.dma_semaphore, #tpu.memory_space<semaphore_mem>>) src(%arg4 : memref<128x128xf32, #tpu.memory_space<hbm>>) dst(%arg8 : memref<128x128xf32, #tpu.memory_space<vmem>>)
      tpu.yield
    }) : () -> ()
    %mul3A_2 = arith.constant 320 : i32
    %mul3A_3 = arith.muli %arg1, %mul3A_2 : i32
    %min3A = arith.constant 4736 : i32
    %min3A_4 = arith.minsi %mul3A_3, %min3A : i32
    %add3A_5 = arith.constant 0 : i32
    %add3A_6 = arith.addi %min3A_4, %add3A_5 : i32
    "tpu.region"() ({
      %run_scoped3A = tpu.sem_alloc : memref<!tpu.dma_semaphore, #tpu.memory_space<semaphore_mem>>
      %dma_start3A = arith.constant 0 : i32
      %dma_start3A_45 = arith.constant 0 : i32
      %dma_start3A_46 = tpu.memref_slice %arg8[%dma_start3A, %dma_start3A_45] : memref<128x128xf32, #tpu.memory_space<vmem>> -> memref<128x128xf32, #tpu.memory_space<vmem>>
      %dma_start3A_47 = arith.constant 0 : i32
      %dma_start3A_48 = tpu.memref_slice %arg15[%add3A_6, %dma_start3A_47] : memref<5056x128xf32, #tpu.memory_space<vmem_shared>> -> memref<128x128xf32, #tpu.memory_space<vmem_shared>>
      %dma_start3A_49 = arith.constant 0 : i32
      %dma_start3A_50 = tpu.memref_slice %arg15[%add3A_6, %dma_start3A_49] : memref<5056x128xf32, #tpu.memory_space<vmem_shared>> -> memref<128x128xf32, #tpu.memory_space<vmem_shared>>
      %dma_start3A_51 = arith.constant 0 : i32
      %dma_start3A_52 = arith.constant 0 : i32
      %dma_start3A_53 = tpu.memref_slice %arg8[%dma_start3A_51, %dma_start3A_52] : memref<128x128xf32, #tpu.memory_space<vmem>> -> memref<128x128xf32, #tpu.memory_space<vmem>>
      tpu.enqueue_dma source(%dma_start3A_53 : memref<128x128xf32, #tpu.memory_space<vmem>>) target(%dma_start3A_50 : memref<128x128xf32, #tpu.memory_space<vmem_shared>>) target_semaphore(%run_scoped3A : memref<!tpu.dma_semaphore, #tpu.memory_space<semaphore_mem>>)
      %dma_wait3A = arith.constant 0 : i32
      %dma_wait3A_54 = arith.constant 0 : i32
      %dma_wait3A_55 = tpu.memref_slice %arg8[%dma_wait3A, %dma_wait3A_54] : memref<128x128xf32, #tpu.memory_space<vmem>> -> memref<128x128xf32, #tpu.memory_space<vmem>>
      %dma_wait3A_56 = arith.constant 0 : i32
      %dma_wait3A_57 = tpu.memref_slice %arg15[%add3A_6, %dma_wait3A_56] : memref<5056x128xf32, #tpu.memory_space<vmem_shared>> -> memref<128x128xf32, #tpu.memory_space<vmem_shared>>
      %dma_wait3A_58 = arith.constant 0 : i32
      %dma_wait3A_59 = tpu.memref_slice %arg15[%add3A_6, %dma_wait3A_58] : memref<5056x128xf32, #tpu.memory_space<vmem_shared>> -> memref<128x128xf32, #tpu.memory_space<vmem_shared>>
      %dma_wait3A_60 = arith.constant 0 : i32
      %dma_wait3A_61 = arith.constant 0 : i32
      %dma_wait3A_62 = tpu.memref_slice %arg8[%dma_wait3A_60, %dma_wait3A_61] : memref<128x128xf32, #tpu.memory_space<vmem>> -> memref<128x128xf32, #tpu.memory_space<vmem>>
      tpu.wait_dma2 semaphore(%run_scoped3A : memref<!tpu.dma_semaphore, #tpu.memory_space<semaphore_mem>>) src(%dma_wait3A_62 : memref<128x128xf32, #tpu.memory_space<vmem>>) dst(%dma_wait3A_59 : memref<128x128xf32, #tpu.memory_space<vmem_shared>>)
      tpu.yield
    }) : () -> ()
    "tpu.region"() ({
      %run_scoped3A = tpu.sem_alloc : memref<!tpu.dma_semaphore, #tpu.memory_space<semaphore_mem>>
      %dma_start3A = arith.constant 0 : i32
      %dma_start3A_45 = arith.constant 0 : i32
      %dma_start3A_46 = tpu.memref_slice %arg8[%dma_start3A, %dma_start3A_45] : memref<128x128xf32, #tpu.memory_space<vmem>> -> memref<128x128xf32, #tpu.memory_space<vmem>>
      %dma_start3A_47 = arith.constant 0 : i32
      %dma_start3A_48 = tpu.memref_slice %arg16[%add3A_6, %dma_start3A_47] : memref<5056x128xf32, #tpu.memory_space<vmem_shared>> -> memref<128x128xf32, #tpu.memory_space<vmem_shared>>
      %dma_start3A_49 = arith.constant 0 : i32
      %dma_start3A_50 = tpu.memref_slice %arg16[%add3A_6, %dma_start3A_49] : memref<5056x128xf32, #tpu.memory_space<vmem_shared>> -> memref<128x128xf32, #tpu.memory_space<vmem_shared>>
      %dma_start3A_51 = arith.constant 0 : i32
      %dma_start3A_52 = arith.constant 0 : i32
      %dma_start3A_53 = tpu.memref_slice %arg8[%dma_start3A_51, %dma_start3A_52] : memref<128x128xf32, #tpu.memory_space<vmem>> -> memref<128x128xf32, #tpu.memory_space<vmem>>
      tpu.enqueue_dma source(%dma_start3A_53 : memref<128x128xf32, #tpu.memory_space<vmem>>) target(%dma_start3A_50 : memref<128x128xf32, #tpu.memory_space<vmem_shared>>) target_semaphore(%run_scoped3A : memref<!tpu.dma_semaphore, #tpu.memory_space<semaphore_mem>>)
      %dma_wait3A = arith.constant 0 : i32
      %dma_wait3A_54 = arith.constant 0 : i32
      %dma_wait3A_55 = tpu.memref_slice %arg8[%dma_wait3A, %dma_wait3A_54] : memref<128x128xf32, #tpu.memory_space<vmem>> -> memref<128x128xf32, #tpu.memory_space<vmem>>
      %dma_wait3A_56 = arith.constant 0 : i32
      %dma_wait3A_57 = tpu.memref_slice %arg16[%add3A_6, %dma_wait3A_56] : memref<5056x128xf32, #tpu.memory_space<vmem_shared>> -> memref<128x128xf32, #tpu.memory_space<vmem_shared>>
      %dma_wait3A_58 = arith.constant 0 : i32
      %dma_wait3A_59 = tpu.memref_slice %arg16[%add3A_6, %dma_wait3A_58] : memref<5056x128xf32, #tpu.memory_space<vmem_shared>> -> memref<128x128xf32, #tpu.memory_space<vmem_shared>>
      %dma_wait3A_60 = arith.constant 0 : i32
      %dma_wait3A_61 = arith.constant 0 : i32
      %dma_wait3A_62 = tpu.memref_slice %arg8[%dma_wait3A_60, %dma_wait3A_61] : memref<128x128xf32, #tpu.memory_space<vmem>> -> memref<128x128xf32, #tpu.memory_space<vmem>>
      tpu.wait_dma2 semaphore(%run_scoped3A : memref<!tpu.dma_semaphore, #tpu.memory_space<semaphore_mem>>) src(%dma_wait3A_62 : memref<128x128xf32, #tpu.memory_space<vmem>>) dst(%dma_wait3A_59 : memref<128x128xf32, #tpu.memory_space<vmem_shared>>)
      tpu.yield
    }) : () -> ()
    %add3A_7 = arith.constant 128 : i32
    %add3A_8 = arith.addi %min3A_4, %add3A_7 : i32
    "tpu.region"() ({
      %run_scoped3A = tpu.sem_alloc : memref<!tpu.dma_semaphore, #tpu.memory_space<semaphore_mem>>
      %dma_start3A = arith.constant 0 : i32
      %dma_start3A_45 = arith.constant 0 : i32
      %dma_start3A_46 = tpu.memref_slice %arg8[%dma_start3A, %dma_start3A_45] : memref<128x128xf32, #tpu.memory_space<vmem>> -> memref<128x128xf32, #tpu.memory_space<vmem>>
      %dma_start3A_47 = arith.constant 0 : i32
      %dma_start3A_48 = tpu.memref_slice %arg15[%add3A_8, %dma_start3A_47] : memref<5056x128xf32, #tpu.memory_space<vmem_shared>> -> memref<128x128xf32, #tpu.memory_space<vmem_shared>>
      %dma_start3A_49 = arith.constant 0 : i32
      %dma_start3A_50 = tpu.memref_slice %arg15[%add3A_8, %dma_start3A_49] : memref<5056x128xf32, #tpu.memory_space<vmem_shared>> -> memref<128x128xf32, #tpu.memory_space<vmem_shared>>
      %dma_start3A_51 = arith.constant 0 : i32
      %dma_start3A_52 = arith.constant 0 : i32
      %dma_start3A_53 = tpu.memref_slice %arg8[%dma_start3A_51, %dma_start3A_52] : memref<128x128xf32, #tpu.memory_space<vmem>> -> memref<128x128xf32, #tpu.memory_space<vmem>>
      tpu.enqueue_dma source(%dma_start3A_53 : memref<128x128xf32, #tpu.memory_space<vmem>>) target(%dma_start3A_50 : memref<128x128xf32, #tpu.memory_space<vmem_shared>>) target_semaphore(%run_scoped3A : memref<!tpu.dma_semaphore, #tpu.memory_space<semaphore_mem>>)
      %dma_wait3A = arith.constant 0 : i32
      %dma_wait3A_54 = arith.constant 0 : i32
      %dma_wait3A_55 = tpu.memref_slice %arg8[%dma_wait3A, %dma_wait3A_54] : memref<128x128xf32, #tpu.memory_space<vmem>> -> memref<128x128xf32, #tpu.memory_space<vmem>>
      %dma_wait3A_56 = arith.constant 0 : i32
      %dma_wait3A_57 = tpu.memref_slice %arg15[%add3A_8, %dma_wait3A_56] : memref<5056x128xf32, #tpu.memory_space<vmem_shared>> -> memref<128x128xf32, #tpu.memory_space<vmem_shared>>
      %dma_wait3A_58 = arith.constant 0 : i32
      %dma_wait3A_59 = tpu.memref_slice %arg15[%add3A_8, %dma_wait3A_58] : memref<5056x128xf32, #tpu.memory_space<vmem_shared>> -> memref<128x128xf32, #tpu.memory_space<vmem_shared>>
      %dma_wait3A_60 = arith.constant 0 : i32
      %dma_wait3A_61 = arith.constant 0 : i32
      %dma_wait3A_62 = tpu.memref_slice %arg8[%dma_wait3A_60, %dma_wait3A_61] : memref<128x128xf32, #tpu.memory_space<vmem>> -> memref<128x128xf32, #tpu.memory_space<vmem>>
      tpu.wait_dma2 semaphore(%run_scoped3A : memref<!tpu.dma_semaphore, #tpu.memory_space<semaphore_mem>>) src(%dma_wait3A_62 : memref<128x128xf32, #tpu.memory_space<vmem>>) dst(%dma_wait3A_59 : memref<128x128xf32, #tpu.memory_space<vmem_shared>>)
      tpu.yield
    }) : () -> ()
    "tpu.region"() ({
      %run_scoped3A = tpu.sem_alloc : memref<!tpu.dma_semaphore, #tpu.memory_space<semaphore_mem>>
      %dma_start3A = arith.constant 0 : i32
      %dma_start3A_45 = arith.constant 0 : i32
      %dma_start3A_46 = tpu.memref_slice %arg8[%dma_start3A, %dma_start3A_45] : memref<128x128xf32, #tpu.memory_space<vmem>> -> memref<128x128xf32, #tpu.memory_space<vmem>>
      %dma_start3A_47 = arith.constant 0 : i32
      %dma_start3A_48 = tpu.memref_slice %arg16[%add3A_8, %dma_start3A_47] : memref<5056x128xf32, #tpu.memory_space<vmem_shared>> -> memref<128x128xf32, #tpu.memory_space<vmem_shared>>
      %dma_start3A_49 = arith.constant 0 : i32
      %dma_start3A_50 = tpu.memref_slice %arg16[%add3A_8, %dma_start3A_49] : memref<5056x128xf32, #tpu.memory_space<vmem_shared>> -> memref<128x128xf32, #tpu.memory_space<vmem_shared>>
      %dma_start3A_51 = arith.constant 0 : i32
      %dma_start3A_52 = arith.constant 0 : i32
      %dma_start3A_53 = tpu.memref_slice %arg8[%dma_start3A_51, %dma_start3A_52] : memref<128x128xf32, #tpu.memory_space<vmem>> -> memref<128x128xf32, #tpu.memory_space<vmem>>
      tpu.enqueue_dma source(%dma_start3A_53 : memref<128x128xf32, #tpu.memory_space<vmem>>) target(%dma_start3A_50 : memref<128x128xf32, #tpu.memory_space<vmem_shared>>) target_semaphore(%run_scoped3A : memref<!tpu.dma_semaphore, #tpu.memory_space<semaphore_mem>>)
      %dma_wait3A = arith.constant 0 : i32
      %dma_wait3A_54 = arith.constant 0 : i32
      %dma_wait3A_55 = tpu.memref_slice %arg8[%dma_wait3A, %dma_wait3A_54] : memref<128x128xf32, #tpu.memory_space<vmem>> -> memref<128x128xf32, #tpu.memory_space<vmem>>
      %dma_wait3A_56 = arith.constant 0 : i32
      %dma_wait3A_57 = tpu.memref_slice %arg16[%add3A_8, %dma_wait3A_56] : memref<5056x128xf32, #tpu.memory_space<vmem_shared>> -> memref<128x128xf32, #tpu.memory_space<vmem_shared>>
      %dma_wait3A_58 = arith.constant 0 : i32
      %dma_wait3A_59 = tpu.memref_slice %arg16[%add3A_8, %dma_wait3A_58] : memref<5056x128xf32, #tpu.memory_space<vmem_shared>> -> memref<128x128xf32, #tpu.memory_space<vmem_shared>>
      %dma_wait3A_60 = arith.constant 0 : i32
      %dma_wait3A_61 = arith.constant 0 : i32
      %dma_wait3A_62 = tpu.memref_slice %arg8[%dma_wait3A_60, %dma_wait3A_61] : memref<128x128xf32, #tpu.memory_space<vmem>> -> memref<128x128xf32, #tpu.memory_space<vmem>>
      tpu.wait_dma2 semaphore(%run_scoped3A : memref<!tpu.dma_semaphore, #tpu.memory_space<semaphore_mem>>) src(%dma_wait3A_62 : memref<128x128xf32, #tpu.memory_space<vmem>>) dst(%dma_wait3A_59 : memref<128x128xf32, #tpu.memory_space<vmem_shared>>)
      tpu.yield
    }) : () -> ()
    %add3A_9 = arith.constant 256 : i32
    %add3A_10 = arith.addi %min3A_4, %add3A_9 : i32
    "tpu.region"() ({
      %run_scoped3A = tpu.sem_alloc : memref<!tpu.dma_semaphore, #tpu.memory_space<semaphore_mem>>
      %dma_start3A = arith.constant 0 : i32
      %dma_start3A_45 = arith.constant 0 : i32
      %dma_start3A_46 = tpu.memref_slice %arg8[%dma_start3A, %dma_start3A_45] : memref<128x128xf32, #tpu.memory_space<vmem>> -> memref<64x128xf32, #tpu.memory_space<vmem>>
      %dma_start3A_47 = arith.constant 0 : i32
      %dma_start3A_48 = tpu.memref_slice %arg15[%add3A_10, %dma_start3A_47] : memref<5056x128xf32, #tpu.memory_space<vmem_shared>> -> memref<64x128xf32, #tpu.memory_space<vmem_shared>>
      %dma_start3A_49 = arith.constant 0 : i32
      %dma_start3A_50 = tpu.memref_slice %arg15[%add3A_10, %dma_start3A_49] : memref<5056x128xf32, #tpu.memory_space<vmem_shared>> -> memref<64x128xf32, #tpu.memory_space<vmem_shared>>
      %dma_start3A_51 = arith.constant 0 : i32
      %dma_start3A_52 = arith.constant 0 : i32
      %dma_start3A_53 = tpu.memref_slice %arg8[%dma_start3A_51, %dma_start3A_52] : memref<128x128xf32, #tpu.memory_space<vmem>> -> memref<64x128xf32, #tpu.memory_space<vmem>>
      tpu.enqueue_dma source(%dma_start3A_53 : memref<64x128xf32, #tpu.memory_space<vmem>>) target(%dma_start3A_50 : memref<64x128xf32, #tpu.memory_space<vmem_shared>>) target_semaphore(%run_scoped3A : memref<!tpu.dma_semaphore, #tpu.memory_space<semaphore_mem>>)
      %dma_wait3A = arith.constant 0 : i32
      %dma_wait3A_54 = arith.constant 0 : i32
      %dma_wait3A_55 = tpu.memref_slice %arg8[%dma_wait3A, %dma_wait3A_54] : memref<128x128xf32, #tpu.memory_space<vmem>> -> memref<64x128xf32, #tpu.memory_space<vmem>>
      %dma_wait3A_56 = arith.constant 0 : i32
      %dma_wait3A_57 = tpu.memref_slice %arg15[%add3A_10, %dma_wait3A_56] : memref<5056x128xf32, #tpu.memory_space<vmem_shared>> -> memref<64x128xf32, #tpu.memory_space<vmem_shared>>
      %dma_wait3A_58 = arith.constant 0 : i32
      %dma_wait3A_59 = tpu.memref_slice %arg15[%add3A_10, %dma_wait3A_58] : memref<5056x128xf32, #tpu.memory_space<vmem_shared>> -> memref<64x128xf32, #tpu.memory_space<vmem_shared>>
      %dma_wait3A_60 = arith.constant 0 : i32
      %dma_wait3A_61 = arith.constant 0 : i32
      %dma_wait3A_62 = tpu.memref_slice %arg8[%dma_wait3A_60, %dma_wait3A_61] : memref<128x128xf32, #tpu.memory_space<vmem>> -> memref<64x128xf32, #tpu.memory_space<vmem>>
      tpu.wait_dma2 semaphore(%run_scoped3A : memref<!tpu.dma_semaphore, #tpu.memory_space<semaphore_mem>>) src(%dma_wait3A_62 : memref<64x128xf32, #tpu.memory_space<vmem>>) dst(%dma_wait3A_59 : memref<64x128xf32, #tpu.memory_space<vmem_shared>>)
      tpu.yield
    }) : () -> ()
    "tpu.region"() ({
      %run_scoped3A = tpu.sem_alloc : memref<!tpu.dma_semaphore, #tpu.memory_space<semaphore_mem>>
      %dma_start3A = arith.constant 0 : i32
      %dma_start3A_45 = arith.constant 0 : i32
      %dma_start3A_46 = tpu.memref_slice %arg8[%dma_start3A, %dma_start3A_45] : memref<128x128xf32, #tpu.memory_space<vmem>> -> memref<64x128xf32, #tpu.memory_space<vmem>>
      %dma_start3A_47 = arith.constant 0 : i32
      %dma_start3A_48 = tpu.memref_slice %arg16[%add3A_10, %dma_start3A_47] : memref<5056x128xf32, #tpu.memory_space<vmem_shared>> -> memref<64x128xf32, #tpu.memory_space<vmem_shared>>
      %dma_start3A_49 = arith.constant 0 : i32
      %dma_start3A_50 = tpu.memref_slice %arg16[%add3A_10, %dma_start3A_49] : memref<5056x128xf32, #tpu.memory_space<vmem_shared>> -> memref<64x128xf32, #tpu.memory_space<vmem_shared>>
      %dma_start3A_51 = arith.constant 0 : i32
      %dma_start3A_52 = arith.constant 0 : i32
      %dma_start3A_53 = tpu.memref_slice %arg8[%dma_start3A_51, %dma_start3A_52] : memref<128x128xf32, #tpu.memory_space<vmem>> -> memref<64x128xf32, #tpu.memory_space<vmem>>
      tpu.enqueue_dma source(%dma_start3A_53 : memref<64x128xf32, #tpu.memory_space<vmem>>) target(%dma_start3A_50 : memref<64x128xf32, #tpu.memory_space<vmem_shared>>) target_semaphore(%run_scoped3A : memref<!tpu.dma_semaphore, #tpu.memory_space<semaphore_mem>>)
      %dma_wait3A = arith.constant 0 : i32
      %dma_wait3A_54 = arith.constant 0 : i32
      %dma_wait3A_55 = tpu.memref_slice %arg8[%dma_wait3A, %dma_wait3A_54] : memref<128x128xf32, #tpu.memory_space<vmem>> -> memref<64x128xf32, #tpu.memory_space<vmem>>
      %dma_wait3A_56 = arith.constant 0 : i32
      %dma_wait3A_57 = tpu.memref_slice %arg16[%add3A_10, %dma_wait3A_56] : memref<5056x128xf32, #tpu.memory_space<vmem_shared>> -> memref<64x128xf32, #tpu.memory_space<vmem_shared>>
      %dma_wait3A_58 = arith.constant 0 : i32
      %dma_wait3A_59 = tpu.memref_slice %arg16[%add3A_10, %dma_wait3A_58] : memref<5056x128xf32, #tpu.memory_space<vmem_shared>> -> memref<64x128xf32, #tpu.memory_space<vmem_shared>>
      %dma_wait3A_60 = arith.constant 0 : i32
      %dma_wait3A_61 = arith.constant 0 : i32
      %dma_wait3A_62 = tpu.memref_slice %arg8[%dma_wait3A_60, %dma_wait3A_61] : memref<128x128xf32, #tpu.memory_space<vmem>> -> memref<64x128xf32, #tpu.memory_space<vmem>>
      tpu.wait_dma2 semaphore(%run_scoped3A : memref<!tpu.dma_semaphore, #tpu.memory_space<semaphore_mem>>) src(%dma_wait3A_62 : memref<64x128xf32, #tpu.memory_space<vmem>>) dst(%dma_wait3A_59 : memref<64x128xf32, #tpu.memory_space<vmem_shared>>)
      tpu.yield
    }) : () -> ()
    "tpu.region"() ({
      %run_scoped3A = tpu.sem_alloc : memref<!tpu.dma_semaphore, #tpu.memory_space<semaphore_mem>>
      tpu.enqueue_dma source(%arg5 : memref<128x128xf32, #tpu.memory_space<hbm>>) target(%arg10 : memref<128x128xf32, #tpu.memory_space<vmem>>) target_semaphore(%run_scoped3A : memref<!tpu.dma_semaphore, #tpu.memory_space<semaphore_mem>>)
      tpu.wait_dma2 semaphore(%run_scoped3A : memref<!tpu.dma_semaphore, #tpu.memory_space<semaphore_mem>>) src(%arg5 : memref<128x128xf32, #tpu.memory_space<hbm>>) dst(%arg10 : memref<128x128xf32, #tpu.memory_space<vmem>>)
      tpu.yield
    }) : () -> ()
    %scan3A = arith.constant 0 : i32
    %scan3A_11 = arith.constant 2500 : i32
    %scan3A_12 = arith.constant 0 : i32
    %scan3A_13 = arith.constant 12 : i32
    %scan3A_14 = arith.addi %scan3A_12, %scan3A_13 : i32
    %scan3A_15 = arith.constant 1 : i32
    %scan3A_16:2 = scf.for %scan3A_45 = %scan3A_12 to %scan3A_14 step %scan3A_15 iter_args(%scan3A_46 = %scan3A, %scan3A_47 = %scan3A_11) -> (i32, i32)  : i32 {
      %add3A_48 = arith.addi %scan3A_46, %scan3A_47 : i32
      %div3A_49 = arith.constant 2 : i32
      %div3A_50 = arith.divsi %add3A_48, %div3A_49 : i32
      %mul3A_51 = arith.constant 128 : i32
      %mul3A_52 = arith.muli %div3A_50, %mul3A_51 : i32
      "tpu.region"() ({
        %run_scoped3A = tpu.sem_alloc : memref<!tpu.dma_semaphore, #tpu.memory_space<semaphore_mem>>
        %dma_start3A = arith.constant 0 : i32
        %dma_start3A_60 = tpu.memref_slice %arg11[%dma_start3A] : memref<128xi32, #tpu.memory_space<vmem>> -> memref<16xi32, #tpu.memory_space<vmem>>
        %dma_start3A_61 = tpu.memref_slice %arg3[%mul3A_52] : memref<320000xi32, #tpu.memory_space<hbm>> -> memref<16xi32, #tpu.memory_space<hbm>>
        %dma_start3A_62 = arith.constant 0 : i32
        %dma_start3A_63 = tpu.memref_slice %arg11[%dma_start3A_62] : memref<128xi32, #tpu.memory_space<vmem>> -> memref<16xi32, #tpu.memory_space<vmem>>
        %dma_start3A_64 = tpu.memref_slice %arg3[%mul3A_52] : memref<320000xi32, #tpu.memory_space<hbm>> -> memref<16xi32, #tpu.memory_space<hbm>>
        tpu.enqueue_dma source(%dma_start3A_64 : memref<16xi32, #tpu.memory_space<hbm>>) target(%dma_start3A_63 : memref<16xi32, #tpu.memory_space<vmem>>) target_semaphore(%run_scoped3A : memref<!tpu.dma_semaphore, #tpu.memory_space<semaphore_mem>>)
        %dma_wait3A = arith.constant 0 : i32
        %dma_wait3A_65 = tpu.memref_slice %arg11[%dma_wait3A] : memref<128xi32, #tpu.memory_space<vmem>> -> memref<16xi32, #tpu.memory_space<vmem>>
        %dma_wait3A_66 = tpu.memref_slice %arg3[%mul3A_52] : memref<320000xi32, #tpu.memory_space<hbm>> -> memref<16xi32, #tpu.memory_space<hbm>>
        %dma_wait3A_67 = arith.constant 0 : i32
        %dma_wait3A_68 = tpu.memref_slice %arg11[%dma_wait3A_67] : memref<128xi32, #tpu.memory_space<vmem>> -> memref<16xi32, #tpu.memory_space<vmem>>
        %dma_wait3A_69 = tpu.memref_slice %arg3[%mul3A_52] : memref<320000xi32, #tpu.memory_space<hbm>> -> memref<16xi32, #tpu.memory_space<hbm>>
        tpu.wait_dma2 semaphore(%run_scoped3A : memref<!tpu.dma_semaphore, #tpu.memory_space<semaphore_mem>>) src(%dma_wait3A_69 : memref<16xi32, #tpu.memory_space<hbm>>) dst(%dma_wait3A_68 : memref<16xi32, #tpu.memory_space<vmem>>)
        tpu.yield
      }) : () -> ()
      %get3A = arith.constant 0 : index
      %get3A_53 = tpu.vector_load %arg11[%get3A] {strides = array<i32>} : memref<128xi32, #tpu.memory_space<vmem>>, vector<16xi32>,
      %get3A_54 = vector.shape_cast %get3A_53 : vector<16xi32> to vector<16xi32>
      %slice3A = vector.extract_strided_slice %get3A_54 {offsets = [0], sizes = [1], strides = [1]} : vector<16xi32> to vector<1xi32>
      %squeeze3A = vector.extract %slice3A[0] : i32 from vector<1xi32>
      %ge3A = arith.constant 5000 : i32
      %ge3A_55 = arith.cmpi sge, %squeeze3A, %ge3A : i32
      %add3A_56 = arith.constant 1 : i32
      %add3A_57 = arith.addi %div3A_50, %add3A_56 : i32
      %select_n3A_58 = arith.select %ge3A_55, %scan3A_46, %add3A_57 : i32
      %select_n3A_59 = arith.select %ge3A_55, %div3A_50, %scan3A_47 : i32
      scf.yield %select_n3A_58, %select_n3A_59 : i32, i32
    }
    %scan3A_17 = arith.constant 12 : i32
    %eq3A = arith.constant 0 : i32
    %eq3A_18 = arith.cmpi eq, %arg0, %eq3A : i32
    %sub3A = arith.constant 1 : i32
    %sub3A_19 = arith.subi %scan3A_16#1, %sub3A : i32
    %max3A = arith.constant 0 : i32
    %max3A_20 = arith.maxsi %sub3A_19, %max3A : i32
    %jit3A = arith.constant 0 : i32
    %select_n3A = arith.select %eq3A_18, %jit3A, %max3A_20 : i32
    %eq3A_21 = arith.constant 0 : i32
    %eq3A_22 = arith.cmpi eq, %arg0, %eq3A_21 : i32
    %jit3A_23 = arith.constant 2500 : i32
    %select_n3A_24 = arith.select %eq3A_22, %scan3A_16#1, %jit3A_23 : i32
    %add3A_25 = arith.addi %select_n3A, %arg1 : i32
    %sub3A_26 = arith.subi %select_n3A_24, %add3A_25 : i32
    %add3A_27 = arith.constant 15 : i32
    %add3A_28 = arith.addi %sub3A_26, %add3A_27 : i32
    %div3A = arith.constant 16 : i32
    %div3A_29 = arith.divsi %add3A_28, %div3A : i32
    %max3A_30 = arith.constant 0 : i32
    %max3A_31 = arith.maxsi %max3A_30, %div3A_29 : i32
    %barrier3A = arith.constant 0 : index
    tpu.barrier barrier_id(%barrier3A)
    %gt3A = arith.constant 0 : i32
    %gt3A_32 = arith.cmpi sgt, %max3A_31, %gt3A : i32
    %convert_element_type3A = arith.extui %gt3A_32 : i1 to i32
    %cond3A = arith.constant 0 : i32
    %cond3A_33 = arith.cmpi ne, %convert_element_type3A, %cond3A : i32
    scf.if %cond3A_33 {
      %add3A_45 = arith.constant 0 : i32
      %add3A_46 = arith.addi %add3A_25, %add3A_45 : i32
      %mul3A_47 = arith.constant 128 : i32
      %mul3A_48 = arith.muli %add3A_46, %mul3A_47 : i32
      %sub3A_49 = arith.constant 1 : i32
      %sub3A_50 = arith.subi %max3A_31, %sub3A_49 : i32
      %min3A_51 = arith.constant 1 : i32
      %min3A_52 = arith.minsi %min3A_51, %sub3A_50 : i32
      %mul3A_53 = arith.constant 16 : i32
      %mul3A_54 = arith.muli %mul3A_53, %min3A_52 : i32
      %add3A_55 = arith.addi %add3A_25, %mul3A_54 : i32
      %mul3A_56 = arith.constant 128 : i32
      %mul3A_57 = arith.muli %add3A_55, %mul3A_56 : i32
      "tpu.region"() ({
        %run_scoped3A = tpu.sem_alloc : memref<!tpu.dma_semaphore, #tpu.memory_space<semaphore_mem>>
        %dma_start3A_98 = tpu.memref_slice %arg3[%mul3A_48] : memref<320000xi32, #tpu.memory_space<hbm>> -> memref<128xi32, #tpu.memory_space<hbm>>
        %dma_start3A_99 = tpu.memref_slice %arg3[%mul3A_48] : memref<320000xi32, #tpu.memory_space<hbm>> -> memref<128xi32, #tpu.memory_space<hbm>>
        tpu.enqueue_dma source(%dma_start3A_99 : memref<128xi32, #tpu.memory_space<hbm>>) target(%arg11 : memref<128xi32, #tpu.memory_space<vmem>>) target_semaphore(%run_scoped3A : memref<!tpu.dma_semaphore, #tpu.memory_space<semaphore_mem>>)
        %dma_wait3A_100 = tpu.memref_slice %arg3[%mul3A_48] : memref<320000xi32, #tpu.memory_space<hbm>> -> memref<128xi32, #tpu.memory_space<hbm>>
        %dma_wait3A_101 = tpu.memref_slice %arg3[%mul3A_48] : memref<320000xi32, #tpu.memory_space<hbm>> -> memref<128xi32, #tpu.memory_space<hbm>>
        tpu.wait_dma2 semaphore(%run_scoped3A : memref<!tpu.dma_semaphore, #tpu.memory_space<semaphore_mem>>) src(%dma_wait3A_101 : memref<128xi32, #tpu.memory_space<hbm>>) dst(%arg11 : memref<128xi32, #tpu.memory_space<vmem>>)
        tpu.yield
      }) : () -> ()
      "tpu.region"() ({
        %run_scoped3A = tpu.sem_alloc : memref<!tpu.dma_semaphore, #tpu.memory_space<semaphore_mem>>
        %dma_start3A_98 = tpu.memref_slice %arg3[%mul3A_57] : memref<320000xi32, #tpu.memory_space<hbm>> -> memref<128xi32, #tpu.memory_space<hbm>>
        %dma_start3A_99 = tpu.memref_slice %arg3[%mul3A_57] : memref<320000xi32, #tpu.memory_space<hbm>> -> memref<128xi32, #tpu.memory_space<hbm>>
        tpu.enqueue_dma source(%dma_start3A_99 : memref<128xi32, #tpu.memory_space<hbm>>) target(%arg12 : memref<128xi32, #tpu.memory_space<vmem>>) target_semaphore(%run_scoped3A : memref<!tpu.dma_semaphore, #tpu.memory_space<semaphore_mem>>)
        %dma_wait3A_100 = tpu.memref_slice %arg3[%mul3A_57] : memref<320000xi32, #tpu.memory_space<hbm>> -> memref<128xi32, #tpu.memory_space<hbm>>
        %dma_wait3A_101 = tpu.memref_slice %arg3[%mul3A_57] : memref<320000xi32, #tpu.memory_space<hbm>> -> memref<128xi32, #tpu.memory_space<hbm>>
        tpu.wait_dma2 semaphore(%run_scoped3A : memref<!tpu.dma_semaphore, #tpu.memory_space<semaphore_mem>>) src(%dma_wait3A_101 : memref<128xi32, #tpu.memory_space<hbm>>) dst(%arg12 : memref<128xi32, #tpu.memory_space<vmem>>)
        tpu.yield
      }) : () -> ()
      %dma_start3A = arith.constant 0 : i32
      %dma_start3A_58 = tpu.memref_slice %arg2[%mul3A_48, %dma_start3A] : memref<320000x128xf32, #tpu.memory_space<hbm>> -> memref<128x128xf32, #tpu.memory_space<hbm>>
      %dma_start3A_59 = arith.constant 0 : i32
      %dma_start3A_60 = tpu.memref_slice %arg2[%mul3A_48, %dma_start3A_59] : memref<320000x128xf32, #tpu.memory_space<hbm>> -> memref<128x128xf32, #tpu.memory_space<hbm>>
      tpu.enqueue_dma source(%dma_start3A_60 : memref<128x128xf32, #tpu.memory_space<hbm>>) target(%arg8 : memref<128x128xf32, #tpu.memory_space<vmem>>) target_semaphore(%arg17 : memref<!tpu.dma_semaphore, #tpu.memory_space<semaphore_mem>>)
      %dma_start3A_61 = arith.constant 0 : i32
      %dma_start3A_62 = tpu.memref_slice %arg2[%mul3A_57, %dma_start3A_61] : memref<320000x128xf32, #tpu.memory_space<hbm>> -> memref<128x128xf32, #tpu.memory_space<hbm>>
      %dma_start3A_63 = arith.constant 0 : i32
      %dma_start3A_64 = tpu.memref_slice %arg2[%mul3A_57, %dma_start3A_63] : memref<320000x128xf32, #tpu.memory_space<hbm>> -> memref<128x128xf32, #tpu.memory_space<hbm>>
      tpu.enqueue_dma source(%dma_start3A_64 : memref<128x128xf32, #tpu.memory_space<hbm>>) target(%arg9 : memref<128x128xf32, #tpu.memory_space<vmem>>) target_semaphore(%arg18 : memref<!tpu.dma_semaphore, #tpu.memory_space<semaphore_mem>>)
      %div3A_65 = arith.constant 2 : i32
      %div3A_66 = arith.divsi %max3A_31, %div3A_65 : i32
      %while3A = arith.constant 0 : i32
      %while3A_67 = arith.constant 0 : i32
      %while3A_68 = arith.subi %div3A_66, %while3A_67 : i32
      %while3A_69 = arith.addi %while3A_67, %while3A_68 : i32
      %while3A_70 = arith.constant 1 : i32
      %while3A_71 = arith.divsi %while3A_68, %while3A_70 : i32
      %while3A_72 = arith.muli %while3A_71, %while3A_70 : i32
      %while3A_73 = arith.addi %while3A_67, %while3A_72 : i32
      %while3A_74 = arith.constant 1 : i32
      scf.for %while3A_98 = %while3A_67 to %while3A_73 step %while3A_74  : i32 {
        %gt3A_99 = arith.constant 0 : i32
        %gt3A_100 = arith.cmpi sgt, %while3A_98, %gt3A_99 : i32
        %convert_element_type3A_101 = arith.extui %gt3A_100 : i1 to i32
        %cond3A_102 = arith.constant 0 : i32
        %cond3A_103 = arith.cmpi ne, %convert_element_type3A_101, %cond3A_102 : i32
        scf.if %cond3A_103 {
          %dma_wait3A_432 = arith.constant 0 : i32
          %dma_wait3A_433 = arith.constant 0 : i32
          %dma_wait3A_434 = tpu.memref_slice %arg16[%dma_wait3A_432, %dma_wait3A_433] : memref<5056x128xf32, #tpu.memory_space<vmem_shared>> -> memref<5056x128xf32, #tpu.memory_space<vmem_shared>>
          tpu.wait_indirect_dma semaphore(%arg20 : memref<!tpu.dma_semaphore, #tpu.memory_space<semaphore_mem>>) src(%arg10 : memref<128x128xf32, #tpu.memory_space<vmem>>) dst(%dma_wait3A_434 : memref<5056x128xf32, #tpu.memory_space<vmem_shared>>)
          %dma_wait3A_435 = arith.constant 0 : i32
          %dma_wait3A_436 = arith.constant 0 : i32
          %dma_wait3A_437 = tpu.memref_slice %arg16[%dma_wait3A_435, %dma_wait3A_436] : memref<5056x128xf32, #tpu.memory_space<vmem_shared>> -> memref<5056x128xf32, #tpu.memory_space<vmem_shared>>
          tpu.wait_indirect_dma semaphore(%arg22 : memref<!tpu.dma_semaphore, #tpu.memory_space<semaphore_mem>>) src(%arg10 : memref<128x128xf32, #tpu.memory_space<vmem>>) dst(%dma_wait3A_437 : memref<5056x128xf32, #tpu.memory_space<vmem_shared>>)
        } else {
        }
        %get3A = arith.constant 0 : index
        %get3A_104 = tpu.vector_load %arg11[%get3A] {strides = array<i32>} : memref<128xi32, #tpu.memory_space<vmem>>, vector<16xi32>,
        %get3A_105 = vector.shape_cast %get3A_104 : vector<16xi32> to vector<16xi32>
        %ge3A = vector.broadcast %mul3A_0 : i32 to vector<16xi32>
        %ge3A_106 = arith.cmpi sge, %get3A_105, %ge3A : vector<16xi32>
        %lt3A = vector.broadcast %add3A_1 : i32 to vector<16xi32>
        %lt3A_107 = arith.cmpi slt, %get3A_105, %lt3A : vector<16xi32>
        %and3A = arith.andi %ge3A_106, %lt3A_107 : vector<16xi1>
        %sub3A_108 = vector.broadcast %mul3A_0 : i32 to vector<16xi32>
        %sub3A_109 = arith.subi %get3A_105, %sub3A_108 : vector<16xi32>
        %jit3A_110 = arith.constant 5000 : i32
        %broadcast_in_dim3A = vector.broadcast %jit3A_110 : i32 to vector<16xi32>
        %select_n3A_111 = arith.select %and3A, %sub3A_109, %broadcast_in_dim3A : vector<16xi1>, vector<16xi32>
        %swap3A = arith.constant 0 : index
        %swap3A_112 = tpu.vector_load %arg13[%swap3A] {strides = array<i32>} : memref<128xi32, #tpu.memory_space<vmem>>, vector<16xi32>,
        %swap3A_113 = vector.shape_cast %swap3A_112 : vector<16xi32> to vector<16xi32>
        %swap3A_114 = vector.shape_cast %select_n3A_111 : vector<16xi32> to vector<16xi32>
        tpu.vector_store %arg13[%swap3A], %swap3A_114 {strides = array<i32>} : memref<128xi32, #tpu.memory_space<vmem>>, vector<16xi32>,
        %get3A_115 = arith.constant 16 : index
        %get3A_116 = tpu.vector_load %arg11[%get3A_115] {strides = array<i32>} : memref<128xi32, #tpu.memory_space<vmem>>, vector<16xi32>,
        %get3A_117 = vector.shape_cast %get3A_116 : vector<16xi32> to vector<16xi32>
        %ge3A_118 = vector.broadcast %mul3A_0 : i32 to vector<16xi32>
        %ge3A_119 = arith.cmpi sge, %get3A_117, %ge3A_118 : vector<16xi32>
        %lt3A_120 = vector.broadcast %add3A_1 : i32 to vector<16xi32>
        %lt3A_121 = arith.cmpi slt, %get3A_117, %lt3A_120 : vector<16xi32>
        %and3A_122 = arith.andi %ge3A_119, %lt3A_121 : vector<16xi1>
        %sub3A_123 = vector.broadcast %mul3A_0 : i32 to vector<16xi32>
        %sub3A_124 = arith.subi %get3A_117, %sub3A_123 : vector<16xi32>
        %jit3A_125 = arith.constant 5000 : i32
        %broadcast_in_dim3A_126 = vector.broadcast %jit3A_125 : i32 to vector<16xi32>
        %select_n3A_127 = arith.select %and3A_122, %sub3A_124, %broadcast_in_dim3A_126 : vector<16xi1>, vector<16xi32>
        %swap3A_128 = arith.constant 16 : index
        %swap3A_129 = tpu.vector_load %arg13[%swap3A_128] {strides = array<i32>} : memref<128xi32, #tpu.memory_space<vmem>>, vector<16xi32>,
        %swap3A_130 = vector.shape_cast %swap3A_129 : vector<16xi32> to vector<16xi32>
        %swap3A_131 = vector.shape_cast %select_n3A_127 : vector<16xi32> to vector<16xi32>
        tpu.vector_store %arg13[%swap3A_128], %swap3A_131 {strides = array<i32>} : memref<128xi32, #tpu.memory_space<vmem>>, vector<16xi32>,
        %get3A_132 = arith.constant 32 : index
        %get3A_133 = tpu.vector_load %arg11[%get3A_132] {strides = array<i32>} : memref<128xi32, #tpu.memory_space<vmem>>, vector<16xi32>,
        %get3A_134 = vector.shape_cast %get3A_133 : vector<16xi32> to vector<16xi32>
        %ge3A_135 = vector.broadcast %mul3A_0 : i32 to vector<16xi32>
        %ge3A_136 = arith.cmpi sge, %get3A_134, %ge3A_135 : vector<16xi32>
        %lt3A_137 = vector.broadcast %add3A_1 : i32 to vector<16xi32>
        %lt3A_138 = arith.cmpi slt, %get3A_134, %lt3A_137 : vector<16xi32>
        %and3A_139 = arith.andi %ge3A_136, %lt3A_138 : vector<16xi1>
        %sub3A_140 = vector.broadcast %mul3A_0 : i32 to vector<16xi32>
        %sub3A_141 = arith.subi %get3A_134, %sub3A_140 : vector<16xi32>
        %jit3A_142 = arith.constant 5000 : i32
        %broadcast_in_dim3A_143 = vector.broadcast %jit3A_142 : i32 to vector<16xi32>
        %select_n3A_144 = arith.select %and3A_139, %sub3A_141, %broadcast_in_dim3A_143 : vector<16xi1>, vector<16xi32>
        %swap3A_145 = arith.constant 32 : index
        %swap3A_146 = tpu.vector_load %arg13[%swap3A_145] {strides = array<i32>} : memref<128xi32, #tpu.memory_space<vmem>>, vector<16xi32>,
        %swap3A_147 = vector.shape_cast %swap3A_146 : vector<16xi32> to vector<16xi32>
        %swap3A_148 = vector.shape_cast %select_n3A_144 : vector<16xi32> to vector<16xi32>
        tpu.vector_store %arg13[%swap3A_145], %swap3A_148 {strides = array<i32>} : memref<128xi32, #tpu.memory_space<vmem>>, vector<16xi32>,
        %get3A_149 = arith.constant 48 : index
        %get3A_150 = tpu.vector_load %arg11[%get3A_149] {strides = array<i32>} : memref<128xi32, #tpu.memory_space<vmem>>, vector<16xi32>,
        %get3A_151 = vector.shape_cast %get3A_150 : vector<16xi32> to vector<16xi32>
        %ge3A_152 = vector.broadcast %mul3A_0 : i32 to vector<16xi32>
        %ge3A_153 = arith.cmpi sge, %get3A_151, %ge3A_152 : vector<16xi32>
        %lt3A_154 = vector.broadcast %add3A_1 : i32 to vector<16xi32>
        %lt3A_155 = arith.cmpi slt, %get3A_151, %lt3A_154 : vector<16xi32>
        %and3A_156 = arith.andi %ge3A_153, %lt3A_155 : vector<16xi1>
        %sub3A_157 = vector.broadcast %mul3A_0 : i32 to vector<16xi32>
        %sub3A_158 = arith.subi %get3A_151, %sub3A_157 : vector<16xi32>
        %jit3A_159 = arith.constant 5000 : i32
        %broadcast_in_dim3A_160 = vector.broadcast %jit3A_159 : i32 to vector<16xi32>
        %select_n3A_161 = arith.select %and3A_156, %sub3A_158, %broadcast_in_dim3A_160 : vector<16xi1>, vector<16xi32>
        %swap3A_162 = arith.constant 48 : index
        %swap3A_163 = tpu.vector_load %arg13[%swap3A_162] {strides = array<i32>} : memref<128xi32, #tpu.memory_space<vmem>>, vector<16xi32>,
        %swap3A_164 = vector.shape_cast %swap3A_163 : vector<16xi32> to vector<16xi32>
        %swap3A_165 = vector.shape_cast %select_n3A_161 : vector<16xi32> to vector<16xi32>
        tpu.vector_store %arg13[%swap3A_162], %swap3A_165 {strides = array<i32>} : memref<128xi32, #tpu.memory_space<vmem>>, vector<16xi32>,
        %get3A_166 = arith.constant 64 : index
        %get3A_167 = tpu.vector_load %arg11[%get3A_166] {strides = array<i32>} : memref<128xi32, #tpu.memory_space<vmem>>, vector<16xi32>,
        %get3A_168 = vector.shape_cast %get3A_167 : vector<16xi32> to vector<16xi32>
        %ge3A_169 = vector.broadcast %mul3A_0 : i32 to vector<16xi32>
        %ge3A_170 = arith.cmpi sge, %get3A_168, %ge3A_169 : vector<16xi32>
        %lt3A_171 = vector.broadcast %add3A_1 : i32 to vector<16xi32>
        %lt3A_172 = arith.cmpi slt, %get3A_168, %lt3A_171 : vector<16xi32>
        %and3A_173 = arith.andi %ge3A_170, %lt3A_172 : vector<16xi1>
        %sub3A_174 = vector.broadcast %mul3A_0 : i32 to vector<16xi32>
        %sub3A_175 = arith.subi %get3A_168, %sub3A_174 : vector<16xi32>
        %jit3A_176 = arith.constant 5000 : i32
        %broadcast_in_dim3A_177 = vector.broadcast %jit3A_176 : i32 to vector<16xi32>
        %select_n3A_178 = arith.select %and3A_173, %sub3A_175, %broadcast_in_dim3A_177 : vector<16xi1>, vector<16xi32>
        %swap3A_179 = arith.constant 64 : index
        %swap3A_180 = tpu.vector_load %arg13[%swap3A_179] {strides = array<i32>} : memref<128xi32, #tpu.memory_space<vmem>>, vector<16xi32>,
        %swap3A_181 = vector.shape_cast %swap3A_180 : vector<16xi32> to vector<16xi32>
        %swap3A_182 = vector.shape_cast %select_n3A_178 : vector<16xi32> to vector<16xi32>
        tpu.vector_store %arg13[%swap3A_179], %swap3A_182 {strides = array<i32>} : memref<128xi32, #tpu.memory_space<vmem>>, vector<16xi32>,
        %get3A_183 = arith.constant 80 : index
        %get3A_184 = tpu.vector_load %arg11[%get3A_183] {strides = array<i32>} : memref<128xi32, #tpu.memory_space<vmem>>, vector<16xi32>,
        %get3A_185 = vector.shape_cast %get3A_184 : vector<16xi32> to vector<16xi32>
        %ge3A_186 = vector.broadcast %mul3A_0 : i32 to vector<16xi32>
        %ge3A_187 = arith.cmpi sge, %get3A_185, %ge3A_186 : vector<16xi32>
        %lt3A_188 = vector.broadcast %add3A_1 : i32 to vector<16xi32>
        %lt3A_189 = arith.cmpi slt, %get3A_185, %lt3A_188 : vector<16xi32>
        %and3A_190 = arith.andi %ge3A_187, %lt3A_189 : vector<16xi1>
        %sub3A_191 = vector.broadcast %mul3A_0 : i32 to vector<16xi32>
        %sub3A_192 = arith.subi %get3A_185, %sub3A_191 : vector<16xi32>
        %jit3A_193 = arith.constant 5000 : i32
        %broadcast_in_dim3A_194 = vector.broadcast %jit3A_193 : i32 to vector<16xi32>
        %select_n3A_195 = arith.select %and3A_190, %sub3A_192, %broadcast_in_dim3A_194 : vector<16xi1>, vector<16xi32>
        %swap3A_196 = arith.constant 80 : index
        %swap3A_197 = tpu.vector_load %arg13[%swap3A_196] {strides = array<i32>} : memref<128xi32, #tpu.memory_space<vmem>>, vector<16xi32>,
        %swap3A_198 = vector.shape_cast %swap3A_197 : vector<16xi32> to vector<16xi32>
        %swap3A_199 = vector.shape_cast %select_n3A_195 : vector<16xi32> to vector<16xi32>
        tpu.vector_store %arg13[%swap3A_196], %swap3A_199 {strides = array<i32>} : memref<128xi32, #tpu.memory_space<vmem>>, vector<16xi32>,
        %get3A_200 = arith.constant 96 : index
        %get3A_201 = tpu.vector_load %arg11[%get3A_200] {strides = array<i32>} : memref<128xi32, #tpu.memory_space<vmem>>, vector<16xi32>,
        %get3A_202 = vector.shape_cast %get3A_201 : vector<16xi32> to vector<16xi32>
        %ge3A_203 = vector.broadcast %mul3A_0 : i32 to vector<16xi32>
        %ge3A_204 = arith.cmpi sge, %get3A_202, %ge3A_203 : vector<16xi32>
        %lt3A_205 = vector.broadcast %add3A_1 : i32 to vector<16xi32>
        %lt3A_206 = arith.cmpi slt, %get3A_202, %lt3A_205 : vector<16xi32>
        %and3A_207 = arith.andi %ge3A_204, %lt3A_206 : vector<16xi1>
        %sub3A_208 = vector.broadcast %mul3A_0 : i32 to vector<16xi32>
        %sub3A_209 = arith.subi %get3A_202, %sub3A_208 : vector<16xi32>
        %jit3A_210 = arith.constant 5000 : i32
        %broadcast_in_dim3A_211 = vector.broadcast %jit3A_210 : i32 to vector<16xi32>
        %select_n3A_212 = arith.select %and3A_207, %sub3A_209, %broadcast_in_dim3A_211 : vector<16xi1>, vector<16xi32>
        %swap3A_213 = arith.constant 96 : index
        %swap3A_214 = tpu.vector_load %arg13[%swap3A_213] {strides = array<i32>} : memref<128xi32, #tpu.memory_space<vmem>>, vector<16xi32>,
        %swap3A_215 = vector.shape_cast %swap3A_214 : vector<16xi32> to vector<16xi32>
        %swap3A_216 = vector.shape_cast %select_n3A_212 : vector<16xi32> to vector<16xi32>
        tpu.vector_store %arg13[%swap3A_213], %swap3A_216 {strides = array<i32>} : memref<128xi32, #tpu.memory_space<vmem>>, vector<16xi32>,
        %get3A_217 = arith.constant 112 : index
        %get3A_218 = tpu.vector_load %arg11[%get3A_217] {strides = array<i32>} : memref<128xi32, #tpu.memory_space<vmem>>, vector<16xi32>,
        %get3A_219 = vector.shape_cast %get3A_218 : vector<16xi32> to vector<16xi32>
        %ge3A_220 = vector.broadcast %mul3A_0 : i32 to vector<16xi32>
        %ge3A_221 = arith.cmpi sge, %get3A_219, %ge3A_220 : vector<16xi32>
        %lt3A_222 = vector.broadcast %add3A_1 : i32 to vector<16xi32>
        %lt3A_223 = arith.cmpi slt, %get3A_219, %lt3A_222 : vector<16xi32>
        %and3A_224 = arith.andi %ge3A_221, %lt3A_223 : vector<16xi1>
        %sub3A_225 = vector.broadcast %mul3A_0 : i32 to vector<16xi32>
        %sub3A_226 = arith.subi %get3A_219, %sub3A_225 : vector<16xi32>
        %jit3A_227 = arith.constant 5000 : i32
        %broadcast_in_dim3A_228 = vector.broadcast %jit3A_227 : i32 to vector<16xi32>
        %select_n3A_229 = arith.select %and3A_224, %sub3A_226, %broadcast_in_dim3A_228 : vector<16xi1>, vector<16xi32>
        %swap3A_230 = arith.constant 112 : index
        %swap3A_231 = tpu.vector_load %arg13[%swap3A_230] {strides = array<i32>} : memref<128xi32, #tpu.memory_space<vmem>>, vector<16xi32>,
        %swap3A_232 = vector.shape_cast %swap3A_231 : vector<16xi32> to vector<16xi32>
        %swap3A_233 = vector.shape_cast %select_n3A_229 : vector<16xi32> to vector<16xi32>
        tpu.vector_store %arg13[%swap3A_230], %swap3A_233 {strides = array<i32>} : memref<128xi32, #tpu.memory_space<vmem>>, vector<16xi32>,
        %get3A_234 = arith.constant 0 : index
        %get3A_235 = tpu.vector_load %arg12[%get3A_234] {strides = array<i32>} : memref<128xi32, #tpu.memory_space<vmem>>, vector<16xi32>,
        %get3A_236 = vector.shape_cast %get3A_235 : vector<16xi32> to vector<16xi32>
        %ge3A_237 = vector.broadcast %mul3A_0 : i32 to vector<16xi32>
        %ge3A_238 = arith.cmpi sge, %get3A_236, %ge3A_237 : vector<16xi32>
        %lt3A_239 = vector.broadcast %add3A_1 : i32 to vector<16xi32>
        %lt3A_240 = arith.cmpi slt, %get3A_236, %lt3A_239 : vector<16xi32>
        %and3A_241 = arith.andi %ge3A_238, %lt3A_240 : vector<16xi1>
        %sub3A_242 = vector.broadcast %mul3A_0 : i32 to vector<16xi32>
        %sub3A_243 = arith.subi %get3A_236, %sub3A_242 : vector<16xi32>
        %jit3A_244 = arith.constant 5000 : i32
        %broadcast_in_dim3A_245 = vector.broadcast %jit3A_244 : i32 to vector<16xi32>
        %select_n3A_246 = arith.select %and3A_241, %sub3A_243, %broadcast_in_dim3A_245 : vector<16xi1>, vector<16xi32>
        %swap3A_247 = arith.constant 0 : index
        %swap3A_248 = tpu.vector_load %arg14[%swap3A_247] {strides = array<i32>} : memref<128xi32, #tpu.memory_space<vmem>>, vector<16xi32>,
        %swap3A_249 = vector.shape_cast %swap3A_248 : vector<16xi32> to vector<16xi32>
        %swap3A_250 = vector.shape_cast %select_n3A_246 : vector<16xi32> to vector<16xi32>
        tpu.vector_store %arg14[%swap3A_247], %swap3A_250 {strides = array<i32>} : memref<128xi32, #tpu.memory_space<vmem>>, vector<16xi32>,
        %get3A_251 = arith.constant 16 : index
        %get3A_252 = tpu.vector_load %arg12[%get3A_251] {strides = array<i32>} : memref<128xi32, #tpu.memory_space<vmem>>, vector<16xi32>,
        %get3A_253 = vector.shape_cast %get3A_252 : vector<16xi32> to vector<16xi32>
        %ge3A_254 = vector.broadcast %mul3A_0 : i32 to vector<16xi32>
        %ge3A_255 = arith.cmpi sge, %get3A_253, %ge3A_254 : vector<16xi32>
        %lt3A_256 = vector.broadcast %add3A_1 : i32 to vector<16xi32>
        %lt3A_257 = arith.cmpi slt, %get3A_253, %lt3A_256 : vector<16xi32>
        %and3A_258 = arith.andi %ge3A_255, %lt3A_257 : vector<16xi1>
        %sub3A_259 = vector.broadcast %mul3A_0 : i32 to vector<16xi32>
        %sub3A_260 = arith.subi %get3A_253, %sub3A_259 : vector<16xi32>
        %jit3A_261 = arith.constant 5000 : i32
        %broadcast_in_dim3A_262 = vector.broadcast %jit3A_261 : i32 to vector<16xi32>
        %select_n3A_263 = arith.select %and3A_258, %sub3A_260, %broadcast_in_dim3A_262 : vector<16xi1>, vector<16xi32>
        %swap3A_264 = arith.constant 16 : index
        %swap3A_265 = tpu.vector_load %arg14[%swap3A_264] {strides = array<i32>} : memref<128xi32, #tpu.memory_space<vmem>>, vector<16xi32>,
        %swap3A_266 = vector.shape_cast %swap3A_265 : vector<16xi32> to vector<16xi32>
        %swap3A_267 = vector.shape_cast %select_n3A_263 : vector<16xi32> to vector<16xi32>
        tpu.vector_store %arg14[%swap3A_264], %swap3A_267 {strides = array<i32>} : memref<128xi32, #tpu.memory_space<vmem>>, vector<16xi32>,
        %get3A_268 = arith.constant 32 : index
        %get3A_269 = tpu.vector_load %arg12[%get3A_268] {strides = array<i32>} : memref<128xi32, #tpu.memory_space<vmem>>, vector<16xi32>,
        %get3A_270 = vector.shape_cast %get3A_269 : vector<16xi32> to vector<16xi32>
        %ge3A_271 = vector.broadcast %mul3A_0 : i32 to vector<16xi32>
        %ge3A_272 = arith.cmpi sge, %get3A_270, %ge3A_271 : vector<16xi32>
        %lt3A_273 = vector.broadcast %add3A_1 : i32 to vector<16xi32>
        %lt3A_274 = arith.cmpi slt, %get3A_270, %lt3A_273 : vector<16xi32>
        %and3A_275 = arith.andi %ge3A_272, %lt3A_274 : vector<16xi1>
        %sub3A_276 = vector.broadcast %mul3A_0 : i32 to vector<16xi32>
        %sub3A_277 = arith.subi %get3A_270, %sub3A_276 : vector<16xi32>
        %jit3A_278 = arith.constant 5000 : i32
        %broadcast_in_dim3A_279 = vector.broadcast %jit3A_278 : i32 to vector<16xi32>
        %select_n3A_280 = arith.select %and3A_275, %sub3A_277, %broadcast_in_dim3A_279 : vector<16xi1>, vector<16xi32>
        %swap3A_281 = arith.constant 32 : index
        %swap3A_282 = tpu.vector_load %arg14[%swap3A_281] {strides = array<i32>} : memref<128xi32, #tpu.memory_space<vmem>>, vector<16xi32>,
        %swap3A_283 = vector.shape_cast %swap3A_282 : vector<16xi32> to vector<16xi32>
        %swap3A_284 = vector.shape_cast %select_n3A_280 : vector<16xi32> to vector<16xi32>
        tpu.vector_store %arg14[%swap3A_281], %swap3A_284 {strides = array<i32>} : memref<128xi32, #tpu.memory_space<vmem>>, vector<16xi32>,
        %get3A_285 = arith.constant 48 : index
        %get3A_286 = tpu.vector_load %arg12[%get3A_285] {strides = array<i32>} : memref<128xi32, #tpu.memory_space<vmem>>, vector<16xi32>,
        %get3A_287 = vector.shape_cast %get3A_286 : vector<16xi32> to vector<16xi32>
        %ge3A_288 = vector.broadcast %mul3A_0 : i32 to vector<16xi32>
        %ge3A_289 = arith.cmpi sge, %get3A_287, %ge3A_288 : vector<16xi32>
        %lt3A_290 = vector.broadcast %add3A_1 : i32 to vector<16xi32>
        %lt3A_291 = arith.cmpi slt, %get3A_287, %lt3A_290 : vector<16xi32>
        %and3A_292 = arith.andi %ge3A_289, %lt3A_291 : vector<16xi1>
        %sub3A_293 = vector.broadcast %mul3A_0 : i32 to vector<16xi32>
        %sub3A_294 = arith.subi %get3A_287, %sub3A_293 : vector<16xi32>
        %jit3A_295 = arith.constant 5000 : i32
        %broadcast_in_dim3A_296 = vector.broadcast %jit3A_295 : i32 to vector<16xi32>
        %select_n3A_297 = arith.select %and3A_292, %sub3A_294, %broadcast_in_dim3A_296 : vector<16xi1>, vector<16xi32>
        %swap3A_298 = arith.constant 48 : index
        %swap3A_299 = tpu.vector_load %arg14[%swap3A_298] {strides = array<i32>} : memref<128xi32, #tpu.memory_space<vmem>>, vector<16xi32>,
        %swap3A_300 = vector.shape_cast %swap3A_299 : vector<16xi32> to vector<16xi32>
        %swap3A_301 = vector.shape_cast %select_n3A_297 : vector<16xi32> to vector<16xi32>
        tpu.vector_store %arg14[%swap3A_298], %swap3A_301 {strides = array<i32>} : memref<128xi32, #tpu.memory_space<vmem>>, vector<16xi32>,
        %get3A_302 = arith.constant 64 : index
        %get3A_303 = tpu.vector_load %arg12[%get3A_302] {strides = array<i32>} : memref<128xi32, #tpu.memory_space<vmem>>, vector<16xi32>,
        %get3A_304 = vector.shape_cast %get3A_303 : vector<16xi32> to vector<16xi32>
        %ge3A_305 = vector.broadcast %mul3A_0 : i32 to vector<16xi32>
        %ge3A_306 = arith.cmpi sge, %get3A_304, %ge3A_305 : vector<16xi32>
        %lt3A_307 = vector.broadcast %add3A_1 : i32 to vector<16xi32>
        %lt3A_308 = arith.cmpi slt, %get3A_304, %lt3A_307 : vector<16xi32>
        %and3A_309 = arith.andi %ge3A_306, %lt3A_308 : vector<16xi1>
        %sub3A_310 = vector.broadcast %mul3A_0 : i32 to vector<16xi32>
        %sub3A_311 = arith.subi %get3A_304, %sub3A_310 : vector<16xi32>
        %jit3A_312 = arith.constant 5000 : i32
        %broadcast_in_dim3A_313 = vector.broadcast %jit3A_312 : i32 to vector<16xi32>
        %select_n3A_314 = arith.select %and3A_309, %sub3A_311, %broadcast_in_dim3A_313 : vector<16xi1>, vector<16xi32>
        %swap3A_315 = arith.constant 64 : index
        %swap3A_316 = tpu.vector_load %arg14[%swap3A_315] {strides = array<i32>} : memref<128xi32, #tpu.memory_space<vmem>>, vector<16xi32>,
        %swap3A_317 = vector.shape_cast %swap3A_316 : vector<16xi32> to vector<16xi32>
        %swap3A_318 = vector.shape_cast %select_n3A_314 : vector<16xi32> to vector<16xi32>
        tpu.vector_store %arg14[%swap3A_315], %swap3A_318 {strides = array<i32>} : memref<128xi32, #tpu.memory_space<vmem>>, vector<16xi32>,
        %get3A_319 = arith.constant 80 : index
        %get3A_320 = tpu.vector_load %arg12[%get3A_319] {strides = array<i32>} : memref<128xi32, #tpu.memory_space<vmem>>, vector<16xi32>,
        %get3A_321 = vector.shape_cast %get3A_320 : vector<16xi32> to vector<16xi32>
        %ge3A_322 = vector.broadcast %mul3A_0 : i32 to vector<16xi32>
        %ge3A_323 = arith.cmpi sge, %get3A_321, %ge3A_322 : vector<16xi32>
        %lt3A_324 = vector.broadcast %add3A_1 : i32 to vector<16xi32>
        %lt3A_325 = arith.cmpi slt, %get3A_321, %lt3A_324 : vector<16xi32>
        %and3A_326 = arith.andi %ge3A_323, %lt3A_325 : vector<16xi1>
        %sub3A_327 = vector.broadcast %mul3A_0 : i32 to vector<16xi32>
        %sub3A_328 = arith.subi %get3A_321, %sub3A_327 : vector<16xi32>
        %jit3A_329 = arith.constant 5000 : i32
        %broadcast_in_dim3A_330 = vector.broadcast %jit3A_329 : i32 to vector<16xi32>
        %select_n3A_331 = arith.select %and3A_326, %sub3A_328, %broadcast_in_dim3A_330 : vector<16xi1>, vector<16xi32>
        %swap3A_332 = arith.constant 80 : index
        %swap3A_333 = tpu.vector_load %arg14[%swap3A_332] {strides = array<i32>} : memref<128xi32, #tpu.memory_space<vmem>>, vector<16xi32>,
        %swap3A_334 = vector.shape_cast %swap3A_333 : vector<16xi32> to vector<16xi32>
        %swap3A_335 = vector.shape_cast %select_n3A_331 : vector<16xi32> to vector<16xi32>
        tpu.vector_store %arg14[%swap3A_332], %swap3A_335 {strides = array<i32>} : memref<128xi32, #tpu.memory_space<vmem>>, vector<16xi32>,
        %get3A_336 = arith.constant 96 : index
        %get3A_337 = tpu.vector_load %arg12[%get3A_336] {strides = array<i32>} : memref<128xi32, #tpu.memory_space<vmem>>, vector<16xi32>,
        %get3A_338 = vector.shape_cast %get3A_337 : vector<16xi32> to vector<16xi32>
        %ge3A_339 = vector.broadcast %mul3A_0 : i32 to vector<16xi32>
        %ge3A_340 = arith.cmpi sge, %get3A_338, %ge3A_339 : vector<16xi32>
        %lt3A_341 = vector.broadcast %add3A_1 : i32 to vector<16xi32>
        %lt3A_342 = arith.cmpi slt, %get3A_338, %lt3A_341 : vector<16xi32>
        %and3A_343 = arith.andi %ge3A_340, %lt3A_342 : vector<16xi1>
        %sub3A_344 = vector.broadcast %mul3A_0 : i32 to vector<16xi32>
        %sub3A_345 = arith.subi %get3A_338, %sub3A_344 : vector<16xi32>
        %jit3A_346 = arith.constant 5000 : i32
        %broadcast_in_dim3A_347 = vector.broadcast %jit3A_346 : i32 to vector<16xi32>
        %select_n3A_348 = arith.select %and3A_343, %sub3A_345, %broadcast_in_dim3A_347 : vector<16xi1>, vector<16xi32>
        %swap3A_349 = arith.constant 96 : index
        %swap3A_350 = tpu.vector_load %arg14[%swap3A_349] {strides = array<i32>} : memref<128xi32, #tpu.memory_space<vmem>>, vector<16xi32>,
        %swap3A_351 = vector.shape_cast %swap3A_350 : vector<16xi32> to vector<16xi32>
        %swap3A_352 = vector.shape_cast %select_n3A_348 : vector<16xi32> to vector<16xi32>
        tpu.vector_store %arg14[%swap3A_349], %swap3A_352 {strides = array<i32>} : memref<128xi32, #tpu.memory_space<vmem>>, vector<16xi32>,
        %get3A_353 = arith.constant 112 : index
        %get3A_354 = tpu.vector_load %arg12[%get3A_353] {strides = array<i32>} : memref<128xi32, #tpu.memory_space<vmem>>, vector<16xi32>,
        %get3A_355 = vector.shape_cast %get3A_354 : vector<16xi32> to vector<16xi32>
        %ge3A_356 = vector.broadcast %mul3A_0 : i32 to vector<16xi32>
        %ge3A_357 = arith.cmpi sge, %get3A_355, %ge3A_356 : vector<16xi32>
        %lt3A_358 = vector.broadcast %add3A_1 : i32 to vector<16xi32>
        %lt3A_359 = arith.cmpi slt, %get3A_355, %lt3A_358 : vector<16xi32>
        %and3A_360 = arith.andi %ge3A_357, %lt3A_359 : vector<16xi1>
        %sub3A_361 = vector.broadcast %mul3A_0 : i32 to vector<16xi32>
        %sub3A_362 = arith.subi %get3A_355, %sub3A_361 : vector<16xi32>
        %jit3A_363 = arith.constant 5000 : i32
        %broadcast_in_dim3A_364 = vector.broadcast %jit3A_363 : i32 to vector<16xi32>
        %select_n3A_365 = arith.select %and3A_360, %sub3A_362, %broadcast_in_dim3A_364 : vector<16xi1>, vector<16xi32>
        %swap3A_366 = arith.constant 112 : index
        %swap3A_367 = tpu.vector_load %arg14[%swap3A_366] {strides = array<i32>} : memref<128xi32, #tpu.memory_space<vmem>>, vector<16xi32>,
        %swap3A_368 = vector.shape_cast %swap3A_367 : vector<16xi32> to vector<16xi32>
        %swap3A_369 = vector.shape_cast %select_n3A_365 : vector<16xi32> to vector<16xi32>
        tpu.vector_store %arg14[%swap3A_366], %swap3A_369 {strides = array<i32>} : memref<128xi32, #tpu.memory_space<vmem>>, vector<16xi32>,
        %dma_wait3A_370 = arith.constant 0 : i32
        %dma_wait3A_371 = arith.constant 0 : i32
        %dma_wait3A_372 = tpu.memref_slice %arg2[%dma_wait3A_370, %dma_wait3A_371] : memref<320000x128xf32, #tpu.memory_space<hbm>> -> memref<128x128xf32, #tpu.memory_space<hbm>>
        %dma_wait3A_373 = arith.constant 0 : i32
        %dma_wait3A_374 = arith.constant 0 : i32
        %dma_wait3A_375 = tpu.memref_slice %arg2[%dma_wait3A_373, %dma_wait3A_374] : memref<320000x128xf32, #tpu.memory_space<hbm>> -> memref<128x128xf32, #tpu.memory_space<hbm>>
        tpu.wait_dma2 semaphore(%arg17 : memref<!tpu.dma_semaphore, #tpu.memory_space<semaphore_mem>>) src(%dma_wait3A_375 : memref<128x128xf32, #tpu.memory_space<hbm>>) dst(%arg8 : memref<128x128xf32, #tpu.memory_space<vmem>>)
        %dma_start3A_376 = arith.constant 0 : i32
        %dma_start3A_377 = arith.constant 0 : i32
        %dma_start3A_378 = tpu.memref_slice %arg15[%dma_start3A_376, %dma_start3A_377] : memref<5056x128xf32, #tpu.memory_space<vmem_shared>> -> memref<5056x128xf32, #tpu.memory_space<vmem_shared>>
        tpu.enqueue_indirect_dma source(%arg8 : memref<128x128xf32, #tpu.memory_space<vmem>>) target(%dma_start3A_378 : memref<5056x128xf32, #tpu.memory_space<vmem_shared>>) offsets(%arg13 : memref<128xi32, #tpu.memory_space<vmem>>) semaphore(%arg19 : memref<!tpu.dma_semaphore, #tpu.memory_space<semaphore_mem>>) {add = true}
        %dma_start3A_379 = arith.constant 0 : i32
        %dma_start3A_380 = arith.constant 0 : i32
        %dma_start3A_381 = tpu.memref_slice %arg16[%dma_start3A_379, %dma_start3A_380] : memref<5056x128xf32, #tpu.memory_space<vmem_shared>> -> memref<5056x128xf32, #tpu.memory_space<vmem_shared>>
        tpu.enqueue_indirect_dma source(%arg10 : memref<128x128xf32, #tpu.memory_space<vmem>>) target(%dma_start3A_381 : memref<5056x128xf32, #tpu.memory_space<vmem_shared>>) offsets(%arg13 : memref<128xi32, #tpu.memory_space<vmem>>) semaphore(%arg20 : memref<!tpu.dma_semaphore, #tpu.memory_space<semaphore_mem>>) {add = true}
        %dma_wait3A_382 = arith.constant 0 : i32
        %dma_wait3A_383 = arith.constant 0 : i32
        %dma_wait3A_384 = tpu.memref_slice %arg2[%dma_wait3A_382, %dma_wait3A_383] : memref<320000x128xf32, #tpu.memory_space<hbm>> -> memref<128x128xf32, #tpu.memory_space<hbm>>
        %dma_wait3A_385 = arith.constant 0 : i32
        %dma_wait3A_386 = arith.constant 0 : i32
        %dma_wait3A_387 = tpu.memref_slice %arg2[%dma_wait3A_385, %dma_wait3A_386] : memref<320000x128xf32, #tpu.memory_space<hbm>> -> memref<128x128xf32, #tpu.memory_space<hbm>>
        tpu.wait_dma2 semaphore(%arg18 : memref<!tpu.dma_semaphore, #tpu.memory_space<semaphore_mem>>) src(%dma_wait3A_387 : memref<128x128xf32, #tpu.memory_space<hbm>>) dst(%arg9 : memref<128x128xf32, #tpu.memory_space<vmem>>)
        %dma_start3A_388 = arith.constant 0 : i32
        %dma_start3A_389 = arith.constant 0 : i32
        %dma_start3A_390 = tpu.memref_slice %arg15[%dma_start3A_388, %dma_start3A_389] : memref<5056x128xf32, #tpu.memory_space<vmem_shared>> -> memref<5056x128xf32, #tpu.memory_space<vmem_shared>>
        tpu.enqueue_indirect_dma source(%arg9 : memref<128x128xf32, #tpu.memory_space<vmem>>) target(%dma_start3A_390 : memref<5056x128xf32, #tpu.memory_space<vmem_shared>>) offsets(%arg14 : memref<128xi32, #tpu.memory_space<vmem>>) semaphore(%arg21 : memref<!tpu.dma_semaphore, #tpu.memory_space<semaphore_mem>>) {add = true}
        %dma_start3A_391 = arith.constant 0 : i32
        %dma_start3A_392 = arith.constant 0 : i32
        %dma_start3A_393 = tpu.memref_slice %arg16[%dma_start3A_391, %dma_start3A_392] : memref<5056x128xf32, #tpu.memory_space<vmem_shared>> -> memref<5056x128xf32, #tpu.memory_space<vmem_shared>>
        tpu.enqueue_indirect_dma source(%arg10 : memref<128x128xf32, #tpu.memory_space<vmem>>) target(%dma_start3A_393 : memref<5056x128xf32, #tpu.memory_space<vmem_shared>>) offsets(%arg14 : memref<128xi32, #tpu.memory_space<vmem>>) semaphore(%arg22 : memref<!tpu.dma_semaphore, #tpu.memory_space<semaphore_mem>>) {add = true}
        %mul3A_394 = arith.constant 2 : i32
        %mul3A_395 = arith.muli %mul3A_394, %while3A_98 : i32
        %add3A_396 = arith.constant 2 : i32
        %add3A_397 = arith.addi %mul3A_395, %add3A_396 : i32
        %sub3A_398 = arith.constant 1 : i32
        %sub3A_399 = arith.subi %max3A_31, %sub3A_398 : i32
        %min3A_400 = arith.minsi %add3A_397, %sub3A_399 : i32
        %mul3A_401 = arith.constant 16 : i32
        %mul3A_402 = arith.muli %mul3A_401, %min3A_400 : i32
        %add3A_403 = arith.addi %add3A_25, %mul3A_402 : i32
        %mul3A_404 = arith.constant 128 : i32
        %mul3A_405 = arith.muli %add3A_403, %mul3A_404 : i32
        %mul3A_406 = arith.constant 2 : i32
        %mul3A_407 = arith.muli %mul3A_406, %while3A_98 : i32
        %add3A_408 = arith.constant 3 : i32
        %add3A_409 = arith.addi %mul3A_407, %add3A_408 : i32
        %sub3A_410 = arith.constant 1 : i32
        %sub3A_411 = arith.subi %max3A_31, %sub3A_410 : i32
        %min3A_412 = arith.minsi %add3A_409, %sub3A_411 : i32
        %mul3A_413 = arith.constant 16 : i32
        %mul3A_414 = arith.muli %mul3A_413, %min3A_412 : i32
        %add3A_415 = arith.addi %add3A_25, %mul3A_414 : i32
        %mul3A_416 = arith.constant 128 : i32
        %mul3A_417 = arith.muli %add3A_415, %mul3A_416 : i32
        "tpu.region"() ({
          %run_scoped3A = tpu.sem_alloc : memref<!tpu.dma_semaphore, #tpu.memory_space<semaphore_mem>>
          %dma_start3A_432 = tpu.memref_slice %arg3[%mul3A_405] : memref<320000xi32, #tpu.memory_space<hbm>> -> memref<128xi32, #tpu.memory_space<hbm>>
          %dma_start3A_433 = tpu.memref_slice %arg3[%mul3A_405] : memref<320000xi32, #tpu.memory_space<hbm>> -> memref<128xi32, #tpu.memory_space<hbm>>
          tpu.enqueue_dma source(%dma_start3A_433 : memref<128xi32, #tpu.memory_space<hbm>>) target(%arg11 : memref<128xi32, #tpu.memory_space<vmem>>) target_semaphore(%run_scoped3A : memref<!tpu.dma_semaphore, #tpu.memory_space<semaphore_mem>>)
          %dma_wait3A_434 = tpu.memref_slice %arg3[%mul3A_405] : memref<320000xi32, #tpu.memory_space<hbm>> -> memref<128xi32, #tpu.memory_space<hbm>>
          %dma_wait3A_435 = tpu.memref_slice %arg3[%mul3A_405] : memref<320000xi32, #tpu.memory_space<hbm>> -> memref<128xi32, #tpu.memory_space<hbm>>
          tpu.wait_dma2 semaphore(%run_scoped3A : memref<!tpu.dma_semaphore, #tpu.memory_space<semaphore_mem>>) src(%dma_wait3A_435 : memref<128xi32, #tpu.memory_space<hbm>>) dst(%arg11 : memref<128xi32, #tpu.memory_space<vmem>>)
          tpu.yield
        }) : () -> ()
        "tpu.region"() ({
          %run_scoped3A = tpu.sem_alloc : memref<!tpu.dma_semaphore, #tpu.memory_space<semaphore_mem>>
          %dma_start3A_432 = tpu.memref_slice %arg3[%mul3A_417] : memref<320000xi32, #tpu.memory_space<hbm>> -> memref<128xi32, #tpu.memory_space<hbm>>
          %dma_start3A_433 = tpu.memref_slice %arg3[%mul3A_417] : memref<320000xi32, #tpu.memory_space<hbm>> -> memref<128xi32, #tpu.memory_space<hbm>>
          tpu.enqueue_dma source(%dma_start3A_433 : memref<128xi32, #tpu.memory_space<hbm>>) target(%arg12 : memref<128xi32, #tpu.memory_space<vmem>>) target_semaphore(%run_scoped3A : memref<!tpu.dma_semaphore, #tpu.memory_space<semaphore_mem>>)
          %dma_wait3A_434 = tpu.memref_slice %arg3[%mul3A_417] : memref<320000xi32, #tpu.memory_space<hbm>> -> memref<128xi32, #tpu.memory_space<hbm>>
          %dma_wait3A_435 = tpu.memref_slice %arg3[%mul3A_417] : memref<320000xi32, #tpu.memory_space<hbm>> -> memref<128xi32, #tpu.memory_space<hbm>>
          tpu.wait_dma2 semaphore(%run_scoped3A : memref<!tpu.dma_semaphore, #tpu.memory_space<semaphore_mem>>) src(%dma_wait3A_435 : memref<128xi32, #tpu.memory_space<hbm>>) dst(%arg12 : memref<128xi32, #tpu.memory_space<vmem>>)
          tpu.yield
        }) : () -> ()
        %dma_wait3A_418 = arith.constant 0 : i32
        %dma_wait3A_419 = arith.constant 0 : i32
        %dma_wait3A_420 = tpu.memref_slice %arg15[%dma_wait3A_418, %dma_wait3A_419] : memref<5056x128xf32, #tpu.memory_space<vmem_shared>> -> memref<5056x128xf32, #tpu.memory_space<vmem_shared>>
        tpu.wait_indirect_dma semaphore(%arg19 : memref<!tpu.dma_semaphore, #tpu.memory_space<semaphore_mem>>) src(%arg8 : memref<128x128xf32, #tpu.memory_space<vmem>>) dst(%dma_wait3A_420 : memref<5056x128xf32, #tpu.memory_space<vmem_shared>>)
        %dma_start3A_421 = arith.constant 0 : i32
        %dma_start3A_422 = tpu.memref_slice %arg2[%mul3A_405, %dma_start3A_421] : memref<320000x128xf32, #tpu.memory_space<hbm>> -> memref<128x128xf32, #tpu.memory_space<hbm>>
        %dma_start3A_423 = arith.constant 0 : i32
        %dma_start3A_424 = tpu.memref_slice %arg2[%mul3A_405, %dma_start3A_423] : memref<320000x128xf32, #tpu.memory_space<hbm>> -> memref<128x128xf32, #tpu.memory_space<hbm>>
        tpu.enqueue_dma source(%dma_start3A_424 : memref<128x128xf32, #tpu.memory_space<hbm>>) target(%arg8 : memref<128x128xf32, #tpu.memory_space<vmem>>) target_semaphore(%arg17 : memref<!tpu.dma_semaphore, #tpu.memory_space<semaphore_mem>>)
        %dma_wait3A_425 = arith.constant 0 : i32
        %dma_wait3A_426 = arith.constant 0 : i32
        %dma_wait3A_427 = tpu.memref_slice %arg15[%dma_wait3A_425, %dma_wait3A_426] : memref<5056x128xf32, #tpu.memory_space<vmem_shared>> -> memref<5056x128xf32, #tpu.memory_space<vmem_shared>>
        tpu.wait_indirect_dma semaphore(%arg21 : memref<!tpu.dma_semaphore, #tpu.memory_space<semaphore_mem>>) src(%arg9 : memref<128x128xf32, #tpu.memory_space<vmem>>) dst(%dma_wait3A_427 : memref<5056x128xf32, #tpu.memory_space<vmem_shared>>)
        %dma_start3A_428 = arith.constant 0 : i32
        %dma_start3A_429 = tpu.memref_slice %arg2[%mul3A_417, %dma_start3A_428] : memref<320000x128xf32, #tpu.memory_space<hbm>> -> memref<128x128xf32, #tpu.memory_space<hbm>>
        %dma_start3A_430 = arith.constant 0 : i32
        %dma_start3A_431 = tpu.memref_slice %arg2[%mul3A_417, %dma_start3A_430] : memref<320000x128xf32, #tpu.memory_space<hbm>> -> memref<128x128xf32, #tpu.memory_space<hbm>>
        tpu.enqueue_dma source(%dma_start3A_431 : memref<128x128xf32, #tpu.memory_space<hbm>>) target(%arg9 : memref<128x128xf32, #tpu.memory_space<vmem>>) target_semaphore(%arg18 : memref<!tpu.dma_semaphore, #tpu.memory_space<semaphore_mem>>)
      }
      %while3A_75 = arith.constant 1 : i32
      scf.for %while3A_98 = %while3A_73 to %while3A_69 step %while3A_75  : i32 {
        %gt3A_99 = arith.constant 0 : i32
        %gt3A_100 = arith.cmpi sgt, %while3A_98, %gt3A_99 : i32
        %convert_element_type3A_101 = arith.extui %gt3A_100 : i1 to i32
        %cond3A_102 = arith.constant 0 : i32
        %cond3A_103 = arith.cmpi ne, %convert_element_type3A_101, %cond3A_102 : i32
        scf.if %cond3A_103 {
          %dma_wait3A_432 = arith.constant 0 : i32
          %dma_wait3A_433 = arith.constant 0 : i32
          %dma_wait3A_434 = tpu.memref_slice %arg16[%dma_wait3A_432, %dma_wait3A_433] : memref<5056x128xf32, #tpu.memory_space<vmem_shared>> -> memref<5056x128xf32, #tpu.memory_space<vmem_shared>>
          tpu.wait_indirect_dma semaphore(%arg20 : memref<!tpu.dma_semaphore, #tpu.memory_space<semaphore_mem>>) src(%arg10 : memref<128x128xf32, #tpu.memory_space<vmem>>) dst(%dma_wait3A_434 : memref<5056x128xf32, #tpu.memory_space<vmem_shared>>)
          %dma_wait3A_435 = arith.constant 0 : i32
          %dma_wait3A_436 = arith.constant 0 : i32
          %dma_wait3A_437 = tpu.memref_slice %arg16[%dma_wait3A_435, %dma_wait3A_436] : memref<5056x128xf32, #tpu.memory_space<vmem_shared>> -> memref<5056x128xf32, #tpu.memory_space<vmem_shared>>
          tpu.wait_indirect_dma semaphore(%arg22 : memref<!tpu.dma_semaphore, #tpu.memory_space<semaphore_mem>>) src(%arg10 : memref<128x128xf32, #tpu.memory_space<vmem>>) dst(%dma_wait3A_437 : memref<5056x128xf32, #tpu.memory_space<vmem_shared>>)
        } else {
        }
        %get3A = arith.constant 0 : index
        %get3A_104 = tpu.vector_load %arg11[%get3A] {strides = array<i32>} : memref<128xi32, #tpu.memory_space<vmem>>, vector<16xi32>,
        %get3A_105 = vector.shape_cast %get3A_104 : vector<16xi32> to vector<16xi32>
        %ge3A = vector.broadcast %mul3A_0 : i32 to vector<16xi32>
        %ge3A_106 = arith.cmpi sge, %get3A_105, %ge3A : vector<16xi32>
        %lt3A = vector.broadcast %add3A_1 : i32 to vector<16xi32>
        %lt3A_107 = arith.cmpi slt, %get3A_105, %lt3A : vector<16xi32>
        %and3A = arith.andi %ge3A_106, %lt3A_107 : vector<16xi1>
        %sub3A_108 = vector.broadcast %mul3A_0 : i32 to vector<16xi32>
        %sub3A_109 = arith.subi %get3A_105, %sub3A_108 : vector<16xi32>
        %jit3A_110 = arith.constant 5000 : i32
        %broadcast_in_dim3A = vector.broadcast %jit3A_110 : i32 to vector<16xi32>
        %select_n3A_111 = arith.select %and3A, %sub3A_109, %broadcast_in_dim3A : vector<16xi1>, vector<16xi32>
        %swap3A = arith.constant 0 : index
        %swap3A_112 = tpu.vector_load %arg13[%swap3A] {strides = array<i32>} : memref<128xi32, #tpu.memory_space<vmem>>, vector<16xi32>,
        %swap3A_113 = vector.shape_cast %swap3A_112 : vector<16xi32> to vector<16xi32>
        %swap3A_114 = vector.shape_cast %select_n3A_111 : vector<16xi32> to vector<16xi32>
        tpu.vector_store %arg13[%swap3A], %swap3A_114 {strides = array<i32>} : memref<128xi32, #tpu.memory_space<vmem>>, vector<16xi32>,
        %get3A_115 = arith.constant 16 : index
        %get3A_116 = tpu.vector_load %arg11[%get3A_115] {strides = array<i32>} : memref<128xi32, #tpu.memory_space<vmem>>, vector<16xi32>,
        %get3A_117 = vector.shape_cast %get3A_116 : vector<16xi32> to vector<16xi32>
        %ge3A_118 = vector.broadcast %mul3A_0 : i32 to vector<16xi32>
        %ge3A_119 = arith.cmpi sge, %get3A_117, %ge3A_118 : vector<16xi32>
        %lt3A_120 = vector.broadcast %add3A_1 : i32 to vector<16xi32>
        %lt3A_121 = arith.cmpi slt, %get3A_117, %lt3A_120 : vector<16xi32>
        %and3A_122 = arith.andi %ge3A_119, %lt3A_121 : vector<16xi1>
        %sub3A_123 = vector.broadcast %mul3A_0 : i32 to vector<16xi32>
        %sub3A_124 = arith.subi %get3A_117, %sub3A_123 : vector<16xi32>
        %jit3A_125 = arith.constant 5000 : i32
        %broadcast_in_dim3A_126 = vector.broadcast %jit3A_125 : i32 to vector<16xi32>
        %select_n3A_127 = arith.select %and3A_122, %sub3A_124, %broadcast_in_dim3A_126 : vector<16xi1>, vector<16xi32>
        %swap3A_128 = arith.constant 16 : index
        %swap3A_129 = tpu.vector_load %arg13[%swap3A_128] {strides = array<i32>} : memref<128xi32, #tpu.memory_space<vmem>>, vector<16xi32>,
        %swap3A_130 = vector.shape_cast %swap3A_129 : vector<16xi32> to vector<16xi32>
        %swap3A_131 = vector.shape_cast %select_n3A_127 : vector<16xi32> to vector<16xi32>
        tpu.vector_store %arg13[%swap3A_128], %swap3A_131 {strides = array<i32>} : memref<128xi32, #tpu.memory_space<vmem>>, vector<16xi32>,
        %get3A_132 = arith.constant 32 : index
        %get3A_133 = tpu.vector_load %arg11[%get3A_132] {strides = array<i32>} : memref<128xi32, #tpu.memory_space<vmem>>, vector<16xi32>,
        %get3A_134 = vector.shape_cast %get3A_133 : vector<16xi32> to vector<16xi32>
        %ge3A_135 = vector.broadcast %mul3A_0 : i32 to vector<16xi32>
        %ge3A_136 = arith.cmpi sge, %get3A_134, %ge3A_135 : vector<16xi32>
        %lt3A_137 = vector.broadcast %add3A_1 : i32 to vector<16xi32>
        %lt3A_138 = arith.cmpi slt, %get3A_134, %lt3A_137 : vector<16xi32>
        %and3A_139 = arith.andi %ge3A_136, %lt3A_138 : vector<16xi1>
        %sub3A_140 = vector.broadcast %mul3A_0 : i32 to vector<16xi32>
        %sub3A_141 = arith.subi %get3A_134, %sub3A_140 : vector<16xi32>
        %jit3A_142 = arith.constant 5000 : i32
        %broadcast_in_dim3A_143 = vector.broadcast %jit3A_142 : i32 to vector<16xi32>
        %select_n3A_144 = arith.select %and3A_139, %sub3A_141, %broadcast_in_dim3A_143 : vector<16xi1>, vector<16xi32>
        %swap3A_145 = arith.constant 32 : index
        %swap3A_146 = tpu.vector_load %arg13[%swap3A_145] {strides = array<i32>} : memref<128xi32, #tpu.memory_space<vmem>>, vector<16xi32>,
        %swap3A_147 = vector.shape_cast %swap3A_146 : vector<16xi32> to vector<16xi32>
        %swap3A_148 = vector.shape_cast %select_n3A_144 : vector<16xi32> to vector<16xi32>
        tpu.vector_store %arg13[%swap3A_145], %swap3A_148 {strides = array<i32>} : memref<128xi32, #tpu.memory_space<vmem>>, vector<16xi32>,
        %get3A_149 = arith.constant 48 : index
        %get3A_150 = tpu.vector_load %arg11[%get3A_149] {strides = array<i32>} : memref<128xi32, #tpu.memory_space<vmem>>, vector<16xi32>,
        %get3A_151 = vector.shape_cast %get3A_150 : vector<16xi32> to vector<16xi32>
        %ge3A_152 = vector.broadcast %mul3A_0 : i32 to vector<16xi32>
        %ge3A_153 = arith.cmpi sge, %get3A_151, %ge3A_152 : vector<16xi32>
        %lt3A_154 = vector.broadcast %add3A_1 : i32 to vector<16xi32>
        %lt3A_155 = arith.cmpi slt, %get3A_151, %lt3A_154 : vector<16xi32>
        %and3A_156 = arith.andi %ge3A_153, %lt3A_155 : vector<16xi1>
        %sub3A_157 = vector.broadcast %mul3A_0 : i32 to vector<16xi32>
        %sub3A_158 = arith.subi %get3A_151, %sub3A_157 : vector<16xi32>
        %jit3A_159 = arith.constant 5000 : i32
        %broadcast_in_dim3A_160 = vector.broadcast %jit3A_159 : i32 to vector<16xi32>
        %select_n3A_161 = arith.select %and3A_156, %sub3A_158, %broadcast_in_dim3A_160 : vector<16xi1>, vector<16xi32>
        %swap3A_162 = arith.constant 48 : index
        %swap3A_163 = tpu.vector_load %arg13[%swap3A_162] {strides = array<i32>} : memref<128xi32, #tpu.memory_space<vmem>>, vector<16xi32>,
        %swap3A_164 = vector.shape_cast %swap3A_163 : vector<16xi32> to vector<16xi32>
        %swap3A_165 = vector.shape_cast %select_n3A_161 : vector<16xi32> to vector<16xi32>
        tpu.vector_store %arg13[%swap3A_162], %swap3A_165 {strides = array<i32>} : memref<128xi32, #tpu.memory_space<vmem>>, vector<16xi32>,
        %get3A_166 = arith.constant 64 : index
        %get3A_167 = tpu.vector_load %arg11[%get3A_166] {strides = array<i32>} : memref<128xi32, #tpu.memory_space<vmem>>, vector<16xi32>,
        %get3A_168 = vector.shape_cast %get3A_167 : vector<16xi32> to vector<16xi32>
        %ge3A_169 = vector.broadcast %mul3A_0 : i32 to vector<16xi32>
        %ge3A_170 = arith.cmpi sge, %get3A_168, %ge3A_169 : vector<16xi32>
        %lt3A_171 = vector.broadcast %add3A_1 : i32 to vector<16xi32>
        %lt3A_172 = arith.cmpi slt, %get3A_168, %lt3A_171 : vector<16xi32>
        %and3A_173 = arith.andi %ge3A_170, %lt3A_172 : vector<16xi1>
        %sub3A_174 = vector.broadcast %mul3A_0 : i32 to vector<16xi32>
        %sub3A_175 = arith.subi %get3A_168, %sub3A_174 : vector<16xi32>
        %jit3A_176 = arith.constant 5000 : i32
        %broadcast_in_dim3A_177 = vector.broadcast %jit3A_176 : i32 to vector<16xi32>
        %select_n3A_178 = arith.select %and3A_173, %sub3A_175, %broadcast_in_dim3A_177 : vector<16xi1>, vector<16xi32>
        %swap3A_179 = arith.constant 64 : index
        %swap3A_180 = tpu.vector_load %arg13[%swap3A_179] {strides = array<i32>} : memref<128xi32, #tpu.memory_space<vmem>>, vector<16xi32>,
        %swap3A_181 = vector.shape_cast %swap3A_180 : vector<16xi32> to vector<16xi32>
        %swap3A_182 = vector.shape_cast %select_n3A_178 : vector<16xi32> to vector<16xi32>
        tpu.vector_store %arg13[%swap3A_179], %swap3A_182 {strides = array<i32>} : memref<128xi32, #tpu.memory_space<vmem>>, vector<16xi32>,
        %get3A_183 = arith.constant 80 : index
        %get3A_184 = tpu.vector_load %arg11[%get3A_183] {strides = array<i32>} : memref<128xi32, #tpu.memory_space<vmem>>, vector<16xi32>,
        %get3A_185 = vector.shape_cast %get3A_184 : vector<16xi32> to vector<16xi32>
        %ge3A_186 = vector.broadcast %mul3A_0 : i32 to vector<16xi32>
        %ge3A_187 = arith.cmpi sge, %get3A_185, %ge3A_186 : vector<16xi32>
        %lt3A_188 = vector.broadcast %add3A_1 : i32 to vector<16xi32>
        %lt3A_189 = arith.cmpi slt, %get3A_185, %lt3A_188 : vector<16xi32>
        %and3A_190 = arith.andi %ge3A_187, %lt3A_189 : vector<16xi1>
        %sub3A_191 = vector.broadcast %mul3A_0 : i32 to vector<16xi32>
        %sub3A_192 = arith.subi %get3A_185, %sub3A_191 : vector<16xi32>
        %jit3A_193 = arith.constant 5000 : i32
        %broadcast_in_dim3A_194 = vector.broadcast %jit3A_193 : i32 to vector<16xi32>
        %select_n3A_195 = arith.select %and3A_190, %sub3A_192, %broadcast_in_dim3A_194 : vector<16xi1>, vector<16xi32>
        %swap3A_196 = arith.constant 80 : index
        %swap3A_197 = tpu.vector_load %arg13[%swap3A_196] {strides = array<i32>} : memref<128xi32, #tpu.memory_space<vmem>>, vector<16xi32>,
        %swap3A_198 = vector.shape_cast %swap3A_197 : vector<16xi32> to vector<16xi32>
        %swap3A_199 = vector.shape_cast %select_n3A_195 : vector<16xi32> to vector<16xi32>
        tpu.vector_store %arg13[%swap3A_196], %swap3A_199 {strides = array<i32>} : memref<128xi32, #tpu.memory_space<vmem>>, vector<16xi32>,
        %get3A_200 = arith.constant 96 : index
        %get3A_201 = tpu.vector_load %arg11[%get3A_200] {strides = array<i32>} : memref<128xi32, #tpu.memory_space<vmem>>, vector<16xi32>,
        %get3A_202 = vector.shape_cast %get3A_201 : vector<16xi32> to vector<16xi32>
        %ge3A_203 = vector.broadcast %mul3A_0 : i32 to vector<16xi32>
        %ge3A_204 = arith.cmpi sge, %get3A_202, %ge3A_203 : vector<16xi32>
        %lt3A_205 = vector.broadcast %add3A_1 : i32 to vector<16xi32>
        %lt3A_206 = arith.cmpi slt, %get3A_202, %lt3A_205 : vector<16xi32>
        %and3A_207 = arith.andi %ge3A_204, %lt3A_206 : vector<16xi1>
        %sub3A_208 = vector.broadcast %mul3A_0 : i32 to vector<16xi32>
        %sub3A_209 = arith.subi %get3A_202, %sub3A_208 : vector<16xi32>
        %jit3A_210 = arith.constant 5000 : i32
        %broadcast_in_dim3A_211 = vector.broadcast %jit3A_210 : i32 to vector<16xi32>
        %select_n3A_212 = arith.select %and3A_207, %sub3A_209, %broadcast_in_dim3A_211 : vector<16xi1>, vector<16xi32>
        %swap3A_213 = arith.constant 96 : index
        %swap3A_214 = tpu.vector_load %arg13[%swap3A_213] {strides = array<i32>} : memref<128xi32, #tpu.memory_space<vmem>>, vector<16xi32>,
        %swap3A_215 = vector.shape_cast %swap3A_214 : vector<16xi32> to vector<16xi32>
        %swap3A_216 = vector.shape_cast %select_n3A_212 : vector<16xi32> to vector<16xi32>
        tpu.vector_store %arg13[%swap3A_213], %swap3A_216 {strides = array<i32>} : memref<128xi32, #tpu.memory_space<vmem>>, vector<16xi32>,
        %get3A_217 = arith.constant 112 : index
        %get3A_218 = tpu.vector_load %arg11[%get3A_217] {strides = array<i32>} : memref<128xi32, #tpu.memory_space<vmem>>, vector<16xi32>,
        %get3A_219 = vector.shape_cast %get3A_218 : vector<16xi32> to vector<16xi32>
        %ge3A_220 = vector.broadcast %mul3A_0 : i32 to vector<16xi32>
        %ge3A_221 = arith.cmpi sge, %get3A_219, %ge3A_220 : vector<16xi32>
        %lt3A_222 = vector.broadcast %add3A_1 : i32 to vector<16xi32>
        %lt3A_223 = arith.cmpi slt, %get3A_219, %lt3A_222 : vector<16xi32>
        %and3A_224 = arith.andi %ge3A_221, %lt3A_223 : vector<16xi1>
        %sub3A_225 = vector.broadcast %mul3A_0 : i32 to vector<16xi32>
        %sub3A_226 = arith.subi %get3A_219, %sub3A_225 : vector<16xi32>
        %jit3A_227 = arith.constant 5000 : i32
        %broadcast_in_dim3A_228 = vector.broadcast %jit3A_227 : i32 to vector<16xi32>
        %select_n3A_229 = arith.select %and3A_224, %sub3A_226, %broadcast_in_dim3A_228 : vector<16xi1>, vector<16xi32>
        %swap3A_230 = arith.constant 112 : index
        %swap3A_231 = tpu.vector_load %arg13[%swap3A_230] {strides = array<i32>} : memref<128xi32, #tpu.memory_space<vmem>>, vector<16xi32>,
        %swap3A_232 = vector.shape_cast %swap3A_231 : vector<16xi32> to vector<16xi32>
        %swap3A_233 = vector.shape_cast %select_n3A_229 : vector<16xi32> to vector<16xi32>
        tpu.vector_store %arg13[%swap3A_230], %swap3A_233 {strides = array<i32>} : memref<128xi32, #tpu.memory_space<vmem>>, vector<16xi32>,
        %get3A_234 = arith.constant 0 : index
        %get3A_235 = tpu.vector_load %arg12[%get3A_234] {strides = array<i32>} : memref<128xi32, #tpu.memory_space<vmem>>, vector<16xi32>,
        %get3A_236 = vector.shape_cast %get3A_235 : vector<16xi32> to vector<16xi32>
        %ge3A_237 = vector.broadcast %mul3A_0 : i32 to vector<16xi32>
        %ge3A_238 = arith.cmpi sge, %get3A_236, %ge3A_237 : vector<16xi32>
        %lt3A_239 = vector.broadcast %add3A_1 : i32 to vector<16xi32>
        %lt3A_240 = arith.cmpi slt, %get3A_236, %lt3A_239 : vector<16xi32>
        %and3A_241 = arith.andi %ge3A_238, %lt3A_240 : vector<16xi1>
        %sub3A_242 = vector.broadcast %mul3A_0 : i32 to vector<16xi32>
        %sub3A_243 = arith.subi %get3A_236, %sub3A_242 : vector<16xi32>
        %jit3A_244 = arith.constant 5000 : i32
        %broadcast_in_dim3A_245 = vector.broadcast %jit3A_244 : i32 to vector<16xi32>
        %select_n3A_246 = arith.select %and3A_241, %sub3A_243, %broadcast_in_dim3A_245 : vector<16xi1>, vector<16xi32>
        %swap3A_247 = arith.constant 0 : index
        %swap3A_248 = tpu.vector_load %arg14[%swap3A_247] {strides = array<i32>} : memref<128xi32, #tpu.memory_space<vmem>>, vector<16xi32>,
        %swap3A_249 = vector.shape_cast %swap3A_248 : vector<16xi32> to vector<16xi32>
        %swap3A_250 = vector.shape_cast %select_n3A_246 : vector<16xi32> to vector<16xi32>
        tpu.vector_store %arg14[%swap3A_247], %swap3A_250 {strides = array<i32>} : memref<128xi32, #tpu.memory_space<vmem>>, vector<16xi32>,
        %get3A_251 = arith.constant 16 : index
        %get3A_252 = tpu.vector_load %arg12[%get3A_251] {strides = array<i32>} : memref<128xi32, #tpu.memory_space<vmem>>, vector<16xi32>,
        %get3A_253 = vector.shape_cast %get3A_252 : vector<16xi32> to vector<16xi32>
        %ge3A_254 = vector.broadcast %mul3A_0 : i32 to vector<16xi32>
        %ge3A_255 = arith.cmpi sge, %get3A_253, %ge3A_254 : vector<16xi32>
        %lt3A_256 = vector.broadcast %add3A_1 : i32 to vector<16xi32>
        %lt3A_257 = arith.cmpi slt, %get3A_253, %lt3A_256 : vector<16xi32>
        %and3A_258 = arith.andi %ge3A_255, %lt3A_257 : vector<16xi1>
        %sub3A_259 = vector.broadcast %mul3A_0 : i32 to vector<16xi32>
        %sub3A_260 = arith.subi %get3A_253, %sub3A_259 : vector<16xi32>
        %jit3A_261 = arith.constant 5000 : i32
        %broadcast_in_dim3A_262 = vector.broadcast %jit3A_261 : i32 to vector<16xi32>
        %select_n3A_263 = arith.select %and3A_258, %sub3A_260, %broadcast_in_dim3A_262 : vector<16xi1>, vector<16xi32>
        %swap3A_264 = arith.constant 16 : index
        %swap3A_265 = tpu.vector_load %arg14[%swap3A_264] {strides = array<i32>} : memref<128xi32, #tpu.memory_space<vmem>>, vector<16xi32>,
        %swap3A_266 = vector.shape_cast %swap3A_265 : vector<16xi32> to vector<16xi32>
        %swap3A_267 = vector.shape_cast %select_n3A_263 : vector<16xi32> to vector<16xi32>
        tpu.vector_store %arg14[%swap3A_264], %swap3A_267 {strides = array<i32>} : memref<128xi32, #tpu.memory_space<vmem>>, vector<16xi32>,
        %get3A_268 = arith.constant 32 : index
        %get3A_269 = tpu.vector_load %arg12[%get3A_268] {strides = array<i32>} : memref<128xi32, #tpu.memory_space<vmem>>, vector<16xi32>,
        %get3A_270 = vector.shape_cast %get3A_269 : vector<16xi32> to vector<16xi32>
        %ge3A_271 = vector.broadcast %mul3A_0 : i32 to vector<16xi32>
        %ge3A_272 = arith.cmpi sge, %get3A_270, %ge3A_271 : vector<16xi32>
        %lt3A_273 = vector.broadcast %add3A_1 : i32 to vector<16xi32>
        %lt3A_274 = arith.cmpi slt, %get3A_270, %lt3A_273 : vector<16xi32>
        %and3A_275 = arith.andi %ge3A_272, %lt3A_274 : vector<16xi1>
        %sub3A_276 = vector.broadcast %mul3A_0 : i32 to vector<16xi32>
        %sub3A_277 = arith.subi %get3A_270, %sub3A_276 : vector<16xi32>
        %jit3A_278 = arith.constant 5000 : i32
        %broadcast_in_dim3A_279 = vector.broadcast %jit3A_278 : i32 to vector<16xi32>
        %select_n3A_280 = arith.select %and3A_275, %sub3A_277, %broadcast_in_dim3A_279 : vector<16xi1>, vector<16xi32>
        %swap3A_281 = arith.constant 32 : index
        %swap3A_282 = tpu.vector_load %arg14[%swap3A_281] {strides = array<i32>} : memref<128xi32, #tpu.memory_space<vmem>>, vector<16xi32>,
        %swap3A_283 = vector.shape_cast %swap3A_282 : vector<16xi32> to vector<16xi32>
        %swap3A_284 = vector.shape_cast %select_n3A_280 : vector<16xi32> to vector<16xi32>
        tpu.vector_store %arg14[%swap3A_281], %swap3A_284 {strides = array<i32>} : memref<128xi32, #tpu.memory_space<vmem>>, vector<16xi32>,
        %get3A_285 = arith.constant 48 : index
        %get3A_286 = tpu.vector_load %arg12[%get3A_285] {strides = array<i32>} : memref<128xi32, #tpu.memory_space<vmem>>, vector<16xi32>,
        %get3A_287 = vector.shape_cast %get3A_286 : vector<16xi32> to vector<16xi32>
        %ge3A_288 = vector.broadcast %mul3A_0 : i32 to vector<16xi32>
        %ge3A_289 = arith.cmpi sge, %get3A_287, %ge3A_288 : vector<16xi32>
        %lt3A_290 = vector.broadcast %add3A_1 : i32 to vector<16xi32>
        %lt3A_291 = arith.cmpi slt, %get3A_287, %lt3A_290 : vector<16xi32>
        %and3A_292 = arith.andi %ge3A_289, %lt3A_291 : vector<16xi1>
        %sub3A_293 = vector.broadcast %mul3A_0 : i32 to vector<16xi32>
        %sub3A_294 = arith.subi %get3A_287, %sub3A_293 : vector<16xi32>
        %jit3A_295 = arith.constant 5000 : i32
        %broadcast_in_dim3A_296 = vector.broadcast %jit3A_295 : i32 to vector<16xi32>
        %select_n3A_297 = arith.select %and3A_292, %sub3A_294, %broadcast_in_dim3A_296 : vector<16xi1>, vector<16xi32>
        %swap3A_298 = arith.constant 48 : index
        %swap3A_299 = tpu.vector_load %arg14[%swap3A_298] {strides = array<i32>} : memref<128xi32, #tpu.memory_space<vmem>>, vector<16xi32>,
        %swap3A_300 = vector.shape_cast %swap3A_299 : vector<16xi32> to vector<16xi32>
        %swap3A_301 = vector.shape_cast %select_n3A_297 : vector<16xi32> to vector<16xi32>
        tpu.vector_store %arg14[%swap3A_298], %swap3A_301 {strides = array<i32>} : memref<128xi32, #tpu.memory_space<vmem>>, vector<16xi32>,
        %get3A_302 = arith.constant 64 : index
        %get3A_303 = tpu.vector_load %arg12[%get3A_302] {strides = array<i32>} : memref<128xi32, #tpu.memory_space<vmem>>, vector<16xi32>,
        %get3A_304 = vector.shape_cast %get3A_303 : vector<16xi32> to vector<16xi32>
        %ge3A_305 = vector.broadcast %mul3A_0 : i32 to vector<16xi32>
        %ge3A_306 = arith.cmpi sge, %get3A_304, %ge3A_305 : vector<16xi32>
        %lt3A_307 = vector.broadcast %add3A_1 : i32 to vector<16xi32>
        %lt3A_308 = arith.cmpi slt, %get3A_304, %lt3A_307 : vector<16xi32>
        %and3A_309 = arith.andi %ge3A_306, %lt3A_308 : vector<16xi1>
        %sub3A_310 = vector.broadcast %mul3A_0 : i32 to vector<16xi32>
        %sub3A_311 = arith.subi %get3A_304, %sub3A_310 : vector<16xi32>
        %jit3A_312 = arith.constant 5000 : i32
        %broadcast_in_dim3A_313 = vector.broadcast %jit3A_312 : i32 to vector<16xi32>
        %select_n3A_314 = arith.select %and3A_309, %sub3A_311, %broadcast_in_dim3A_313 : vector<16xi1>, vector<16xi32>
        %swap3A_315 = arith.constant 64 : index
        %swap3A_316 = tpu.vector_load %arg14[%swap3A_315] {strides = array<i32>} : memref<128xi32, #tpu.memory_space<vmem>>, vector<16xi32>,
        %swap3A_317 = vector.shape_cast %swap3A_316 : vector<16xi32> to vector<16xi32>
        %swap3A_318 = vector.shape_cast %select_n3A_314 : vector<16xi32> to vector<16xi32>
        tpu.vector_store %arg14[%swap3A_315], %swap3A_318 {strides = array<i32>} : memref<128xi32, #tpu.memory_space<vmem>>, vector<16xi32>,
        %get3A_319 = arith.constant 80 : index
        %get3A_320 = tpu.vector_load %arg12[%get3A_319] {strides = array<i32>} : memref<128xi32, #tpu.memory_space<vmem>>, vector<16xi32>,
        %get3A_321 = vector.shape_cast %get3A_320 : vector<16xi32> to vector<16xi32>
        %ge3A_322 = vector.broadcast %mul3A_0 : i32 to vector<16xi32>
        %ge3A_323 = arith.cmpi sge, %get3A_321, %ge3A_322 : vector<16xi32>
        %lt3A_324 = vector.broadcast %add3A_1 : i32 to vector<16xi32>
        %lt3A_325 = arith.cmpi slt, %get3A_321, %lt3A_324 : vector<16xi32>
        %and3A_326 = arith.andi %ge3A_323, %lt3A_325 : vector<16xi1>
        %sub3A_327 = vector.broadcast %mul3A_0 : i32 to vector<16xi32>
        %sub3A_328 = arith.subi %get3A_321, %sub3A_327 : vector<16xi32>
        %jit3A_329 = arith.constant 5000 : i32
        %broadcast_in_dim3A_330 = vector.broadcast %jit3A_329 : i32 to vector<16xi32>
        %select_n3A_331 = arith.select %and3A_326, %sub3A_328, %broadcast_in_dim3A_330 : vector<16xi1>, vector<16xi32>
        %swap3A_332 = arith.constant 80 : index
        %swap3A_333 = tpu.vector_load %arg14[%swap3A_332] {strides = array<i32>} : memref<128xi32, #tpu.memory_space<vmem>>, vector<16xi32>,
        %swap3A_334 = vector.shape_cast %swap3A_333 : vector<16xi32> to vector<16xi32>
        %swap3A_335 = vector.shape_cast %select_n3A_331 : vector<16xi32> to vector<16xi32>
        tpu.vector_store %arg14[%swap3A_332], %swap3A_335 {strides = array<i32>} : memref<128xi32, #tpu.memory_space<vmem>>, vector<16xi32>,
        %get3A_336 = arith.constant 96 : index
        %get3A_337 = tpu.vector_load %arg12[%get3A_336] {strides = array<i32>} : memref<128xi32, #tpu.memory_space<vmem>>, vector<16xi32>,
        %get3A_338 = vector.shape_cast %get3A_337 : vector<16xi32> to vector<16xi32>
        %ge3A_339 = vector.broadcast %mul3A_0 : i32 to vector<16xi32>
        %ge3A_340 = arith.cmpi sge, %get3A_338, %ge3A_339 : vector<16xi32>
        %lt3A_341 = vector.broadcast %add3A_1 : i32 to vector<16xi32>
        %lt3A_342 = arith.cmpi slt, %get3A_338, %lt3A_341 : vector<16xi32>
        %and3A_343 = arith.andi %ge3A_340, %lt3A_342 : vector<16xi1>
        %sub3A_344 = vector.broadcast %mul3A_0 : i32 to vector<16xi32>
        %sub3A_345 = arith.subi %get3A_338, %sub3A_344 : vector<16xi32>
        %jit3A_346 = arith.constant 5000 : i32
        %broadcast_in_dim3A_347 = vector.broadcast %jit3A_346 : i32 to vector<16xi32>
        %select_n3A_348 = arith.select %and3A_343, %sub3A_345, %broadcast_in_dim3A_347 : vector<16xi1>, vector<16xi32>
        %swap3A_349 = arith.constant 96 : index
        %swap3A_350 = tpu.vector_load %arg14[%swap3A_349] {strides = array<i32>} : memref<128xi32, #tpu.memory_space<vmem>>, vector<16xi32>,
        %swap3A_351 = vector.shape_cast %swap3A_350 : vector<16xi32> to vector<16xi32>
        %swap3A_352 = vector.shape_cast %select_n3A_348 : vector<16xi32> to vector<16xi32>
        tpu.vector_store %arg14[%swap3A_349], %swap3A_352 {strides = array<i32>} : memref<128xi32, #tpu.memory_space<vmem>>, vector<16xi32>,
        %get3A_353 = arith.constant 112 : index
        %get3A_354 = tpu.vector_load %arg12[%get3A_353] {strides = array<i32>} : memref<128xi32, #tpu.memory_space<vmem>>, vector<16xi32>,
        %get3A_355 = vector.shape_cast %get3A_354 : vector<16xi32> to vector<16xi32>
        %ge3A_356 = vector.broadcast %mul3A_0 : i32 to vector<16xi32>
        %ge3A_357 = arith.cmpi sge, %get3A_355, %ge3A_356 : vector<16xi32>
        %lt3A_358 = vector.broadcast %add3A_1 : i32 to vector<16xi32>
        %lt3A_359 = arith.cmpi slt, %get3A_355, %lt3A_358 : vector<16xi32>
        %and3A_360 = arith.andi %ge3A_357, %lt3A_359 : vector<16xi1>
        %sub3A_361 = vector.broadcast %mul3A_0 : i32 to vector<16xi32>
        %sub3A_362 = arith.subi %get3A_355, %sub3A_361 : vector<16xi32>
        %jit3A_363 = arith.constant 5000 : i32
        %broadcast_in_dim3A_364 = vector.broadcast %jit3A_363 : i32 to vector<16xi32>
        %select_n3A_365 = arith.select %and3A_360, %sub3A_362, %broadcast_in_dim3A_364 : vector<16xi1>, vector<16xi32>
        %swap3A_366 = arith.constant 112 : index
        %swap3A_367 = tpu.vector_load %arg14[%swap3A_366] {strides = array<i32>} : memref<128xi32, #tpu.memory_space<vmem>>, vector<16xi32>,
        %swap3A_368 = vector.shape_cast %swap3A_367 : vector<16xi32> to vector<16xi32>
        %swap3A_369 = vector.shape_cast %select_n3A_365 : vector<16xi32> to vector<16xi32>
        tpu.vector_store %arg14[%swap3A_366], %swap3A_369 {strides = array<i32>} : memref<128xi32, #tpu.memory_space<vmem>>, vector<16xi32>,
        %dma_wait3A_370 = arith.constant 0 : i32
        %dma_wait3A_371 = arith.constant 0 : i32
        %dma_wait3A_372 = tpu.memref_slice %arg2[%dma_wait3A_370, %dma_wait3A_371] : memref<320000x128xf32, #tpu.memory_space<hbm>> -> memref<128x128xf32, #tpu.memory_space<hbm>>
        %dma_wait3A_373 = arith.constant 0 : i32
        %dma_wait3A_374 = arith.constant 0 : i32
        %dma_wait3A_375 = tpu.memref_slice %arg2[%dma_wait3A_373, %dma_wait3A_374] : memref<320000x128xf32, #tpu.memory_space<hbm>> -> memref<128x128xf32, #tpu.memory_space<hbm>>
        tpu.wait_dma2 semaphore(%arg17 : memref<!tpu.dma_semaphore, #tpu.memory_space<semaphore_mem>>) src(%dma_wait3A_375 : memref<128x128xf32, #tpu.memory_space<hbm>>) dst(%arg8 : memref<128x128xf32, #tpu.memory_space<vmem>>)
        %dma_start3A_376 = arith.constant 0 : i32
        %dma_start3A_377 = arith.constant 0 : i32
        %dma_start3A_378 = tpu.memref_slice %arg15[%dma_start3A_376, %dma_start3A_377] : memref<5056x128xf32, #tpu.memory_space<vmem_shared>> -> memref<5056x128xf32, #tpu.memory_space<vmem_shared>>
        tpu.enqueue_indirect_dma source(%arg8 : memref<128x128xf32, #tpu.memory_space<vmem>>) target(%dma_start3A_378 : memref<5056x128xf32, #tpu.memory_space<vmem_shared>>) offsets(%arg13 : memref<128xi32, #tpu.memory_space<vmem>>) semaphore(%arg19 : memref<!tpu.dma_semaphore, #tpu.memory_space<semaphore_mem>>) {add = true}
        %dma_start3A_379 = arith.constant 0 : i32
        %dma_start3A_380 = arith.constant 0 : i32
        %dma_start3A_381 = tpu.memref_slice %arg16[%dma_start3A_379, %dma_start3A_380] : memref<5056x128xf32, #tpu.memory_space<vmem_shared>> -> memref<5056x128xf32, #tpu.memory_space<vmem_shared>>
        tpu.enqueue_indirect_dma source(%arg10 : memref<128x128xf32, #tpu.memory_space<vmem>>) target(%dma_start3A_381 : memref<5056x128xf32, #tpu.memory_space<vmem_shared>>) offsets(%arg13 : memref<128xi32, #tpu.memory_space<vmem>>) semaphore(%arg20 : memref<!tpu.dma_semaphore, #tpu.memory_space<semaphore_mem>>) {add = true}
        %dma_wait3A_382 = arith.constant 0 : i32
        %dma_wait3A_383 = arith.constant 0 : i32
        %dma_wait3A_384 = tpu.memref_slice %arg2[%dma_wait3A_382, %dma_wait3A_383] : memref<320000x128xf32, #tpu.memory_space<hbm>> -> memref<128x128xf32, #tpu.memory_space<hbm>>
        %dma_wait3A_385 = arith.constant 0 : i32
        %dma_wait3A_386 = arith.constant 0 : i32
        %dma_wait3A_387 = tpu.memref_slice %arg2[%dma_wait3A_385, %dma_wait3A_386] : memref<320000x128xf32, #tpu.memory_space<hbm>> -> memref<128x128xf32, #tpu.memory_space<hbm>>
        tpu.wait_dma2 semaphore(%arg18 : memref<!tpu.dma_semaphore, #tpu.memory_space<semaphore_mem>>) src(%dma_wait3A_387 : memref<128x128xf32, #tpu.memory_space<hbm>>) dst(%arg9 : memref<128x128xf32, #tpu.memory_space<vmem>>)
        %dma_start3A_388 = arith.constant 0 : i32
        %dma_start3A_389 = arith.constant 0 : i32
        %dma_start3A_390 = tpu.memref_slice %arg15[%dma_start3A_388, %dma_start3A_389] : memref<5056x128xf32, #tpu.memory_space<vmem_shared>> -> memref<5056x128xf32, #tpu.memory_space<vmem_shared>>
        tpu.enqueue_indirect_dma source(%arg9 : memref<128x128xf32, #tpu.memory_space<vmem>>) target(%dma_start3A_390 : memref<5056x128xf32, #tpu.memory_space<vmem_shared>>) offsets(%arg14 : memref<128xi32, #tpu.memory_space<vmem>>) semaphore(%arg21 : memref<!tpu.dma_semaphore, #tpu.memory_space<semaphore_mem>>) {add = true}
        %dma_start3A_391 = arith.constant 0 : i32
        %dma_start3A_392 = arith.constant 0 : i32
        %dma_start3A_393 = tpu.memref_slice %arg16[%dma_start3A_391, %dma_start3A_392] : memref<5056x128xf32, #tpu.memory_space<vmem_shared>> -> memref<5056x128xf32, #tpu.memory_space<vmem_shared>>
        tpu.enqueue_indirect_dma source(%arg10 : memref<128x128xf32, #tpu.memory_space<vmem>>) target(%dma_start3A_393 : memref<5056x128xf32, #tpu.memory_space<vmem_shared>>) offsets(%arg14 : memref<128xi32, #tpu.memory_space<vmem>>) semaphore(%arg22 : memref<!tpu.dma_semaphore, #tpu.memory_space<semaphore_mem>>) {add = true}
        %mul3A_394 = arith.constant 2 : i32
        %mul3A_395 = arith.muli %mul3A_394, %while3A_98 : i32
        %add3A_396 = arith.constant 2 : i32
        %add3A_397 = arith.addi %mul3A_395, %add3A_396 : i32
        %sub3A_398 = arith.constant 1 : i32
        %sub3A_399 = arith.subi %max3A_31, %sub3A_398 : i32
        %min3A_400 = arith.minsi %add3A_397, %sub3A_399 : i32
        %mul3A_401 = arith.constant 16 : i32
        %mul3A_402 = arith.muli %mul3A_401, %min3A_400 : i32
        %add3A_403 = arith.addi %add3A_25, %mul3A_402 : i32
        %mul3A_404 = arith.constant 128 : i32
        %mul3A_405 = arith.muli %add3A_403, %mul3A_404 : i32
        %mul3A_406 = arith.constant 2 : i32
        %mul3A_407 = arith.muli %mul3A_406, %while3A_98 : i32
        %add3A_408 = arith.constant 3 : i32
        %add3A_409 = arith.addi %mul3A_407, %add3A_408 : i32
        %sub3A_410 = arith.constant 1 : i32
        %sub3A_411 = arith.subi %max3A_31, %sub3A_410 : i32
        %min3A_412 = arith.minsi %add3A_409, %sub3A_411 : i32
        %mul3A_413 = arith.constant 16 : i32
        %mul3A_414 = arith.muli %mul3A_413, %min3A_412 : i32
        %add3A_415 = arith.addi %add3A_25, %mul3A_414 : i32
        %mul3A_416 = arith.constant 128 : i32
        %mul3A_417 = arith.muli %add3A_415, %mul3A_416 : i32
        "tpu.region"() ({
          %run_scoped3A = tpu.sem_alloc : memref<!tpu.dma_semaphore, #tpu.memory_space<semaphore_mem>>
          %dma_start3A_432 = tpu.memref_slice %arg3[%mul3A_405] : memref<320000xi32, #tpu.memory_space<hbm>> -> memref<128xi32, #tpu.memory_space<hbm>>
          %dma_start3A_433 = tpu.memref_slice %arg3[%mul3A_405] : memref<320000xi32, #tpu.memory_space<hbm>> -> memref<128xi32, #tpu.memory_space<hbm>>
          tpu.enqueue_dma source(%dma_start3A_433 : memref<128xi32, #tpu.memory_space<hbm>>) target(%arg11 : memref<128xi32, #tpu.memory_space<vmem>>) target_semaphore(%run_scoped3A : memref<!tpu.dma_semaphore, #tpu.memory_space<semaphore_mem>>)
          %dma_wait3A_434 = tpu.memref_slice %arg3[%mul3A_405] : memref<320000xi32, #tpu.memory_space<hbm>> -> memref<128xi32, #tpu.memory_space<hbm>>
          %dma_wait3A_435 = tpu.memref_slice %arg3[%mul3A_405] : memref<320000xi32, #tpu.memory_space<hbm>> -> memref<128xi32, #tpu.memory_space<hbm>>
          tpu.wait_dma2 semaphore(%run_scoped3A : memref<!tpu.dma_semaphore, #tpu.memory_space<semaphore_mem>>) src(%dma_wait3A_435 : memref<128xi32, #tpu.memory_space<hbm>>) dst(%arg11 : memref<128xi32, #tpu.memory_space<vmem>>)
          tpu.yield
        }) : () -> ()
        "tpu.region"() ({
          %run_scoped3A = tpu.sem_alloc : memref<!tpu.dma_semaphore, #tpu.memory_space<semaphore_mem>>
          %dma_start3A_432 = tpu.memref_slice %arg3[%mul3A_417] : memref<320000xi32, #tpu.memory_space<hbm>> -> memref<128xi32, #tpu.memory_space<hbm>>
          %dma_start3A_433 = tpu.memref_slice %arg3[%mul3A_417] : memref<320000xi32, #tpu.memory_space<hbm>> -> memref<128xi32, #tpu.memory_space<hbm>>
          tpu.enqueue_dma source(%dma_start3A_433 : memref<128xi32, #tpu.memory_space<hbm>>) target(%arg12 : memref<128xi32, #tpu.memory_space<vmem>>) target_semaphore(%run_scoped3A : memref<!tpu.dma_semaphore, #tpu.memory_space<semaphore_mem>>)
          %dma_wait3A_434 = tpu.memref_slice %arg3[%mul3A_417] : memref<320000xi32, #tpu.memory_space<hbm>> -> memref<128xi32, #tpu.memory_space<hbm>>
          %dma_wait3A_435 = tpu.memref_slice %arg3[%mul3A_417] : memref<320000xi32, #tpu.memory_space<hbm>> -> memref<128xi32, #tpu.memory_space<hbm>>
          tpu.wait_dma2 semaphore(%run_scoped3A : memref<!tpu.dma_semaphore, #tpu.memory_space<semaphore_mem>>) src(%dma_wait3A_435 : memref<128xi32, #tpu.memory_space<hbm>>) dst(%arg12 : memref<128xi32, #tpu.memory_space<vmem>>)
          tpu.yield
        }) : () -> ()
        %dma_wait3A_418 = arith.constant 0 : i32
        %dma_wait3A_419 = arith.constant 0 : i32
        %dma_wait3A_420 = tpu.memref_slice %arg15[%dma_wait3A_418, %dma_wait3A_419] : memref<5056x128xf32, #tpu.memory_space<vmem_shared>> -> memref<5056x128xf32, #tpu.memory_space<vmem_shared>>
        tpu.wait_indirect_dma semaphore(%arg19 : memref<!tpu.dma_semaphore, #tpu.memory_space<semaphore_mem>>) src(%arg8 : memref<128x128xf32, #tpu.memory_space<vmem>>) dst(%dma_wait3A_420 : memref<5056x128xf32, #tpu.memory_space<vmem_shared>>)
        %dma_start3A_421 = arith.constant 0 : i32
        %dma_start3A_422 = tpu.memref_slice %arg2[%mul3A_405, %dma_start3A_421] : memref<320000x128xf32, #tpu.memory_space<hbm>> -> memref<128x128xf32, #tpu.memory_space<hbm>>
        %dma_start3A_423 = arith.constant 0 : i32
        %dma_start3A_424 = tpu.memref_slice %arg2[%mul3A_405, %dma_start3A_423] : memref<320000x128xf32, #tpu.memory_space<hbm>> -> memref<128x128xf32, #tpu.memory_space<hbm>>
        tpu.enqueue_dma source(%dma_start3A_424 : memref<128x128xf32, #tpu.memory_space<hbm>>) target(%arg8 : memref<128x128xf32, #tpu.memory_space<vmem>>) target_semaphore(%arg17 : memref<!tpu.dma_semaphore, #tpu.memory_space<semaphore_mem>>)
        %dma_wait3A_425 = arith.constant 0 : i32
        %dma_wait3A_426 = arith.constant 0 : i32
        %dma_wait3A_427 = tpu.memref_slice %arg15[%dma_wait3A_425, %dma_wait3A_426] : memref<5056x128xf32, #tpu.memory_space<vmem_shared>> -> memref<5056x128xf32, #tpu.memory_space<vmem_shared>>
        tpu.wait_indirect_dma semaphore(%arg21 : memref<!tpu.dma_semaphore, #tpu.memory_space<semaphore_mem>>) src(%arg9 : memref<128x128xf32, #tpu.memory_space<vmem>>) dst(%dma_wait3A_427 : memref<5056x128xf32, #tpu.memory_space<vmem_shared>>)
        %dma_start3A_428 = arith.constant 0 : i32
        %dma_start3A_429 = tpu.memref_slice %arg2[%mul3A_417, %dma_start3A_428] : memref<320000x128xf32, #tpu.memory_space<hbm>> -> memref<128x128xf32, #tpu.memory_space<hbm>>
        %dma_start3A_430 = arith.constant 0 : i32
        %dma_start3A_431 = tpu.memref_slice %arg2[%mul3A_417, %dma_start3A_430] : memref<320000x128xf32, #tpu.memory_space<hbm>> -> memref<128x128xf32, #tpu.memory_space<hbm>>
        tpu.enqueue_dma source(%dma_start3A_431 : memref<128x128xf32, #tpu.memory_space<hbm>>) target(%arg9 : memref<128x128xf32, #tpu.memory_space<vmem>>) target_semaphore(%arg18 : memref<!tpu.dma_semaphore, #tpu.memory_space<semaphore_mem>>)
      }
      %dma_wait3A = arith.constant 0 : i32
      %dma_wait3A_76 = arith.constant 0 : i32
      %dma_wait3A_77 = tpu.memref_slice %arg2[%dma_wait3A, %dma_wait3A_76] : memref<320000x128xf32, #tpu.memory_space<hbm>> -> memref<128x128xf32, #tpu.memory_space<hbm>>
      %dma_wait3A_78 = arith.constant 0 : i32
      %dma_wait3A_79 = arith.constant 0 : i32
      %dma_wait3A_80 = tpu.memref_slice %arg2[%dma_wait3A_78, %dma_wait3A_79] : memref<320000x128xf32, #tpu.memory_space<hbm>> -> memref<128x128xf32, #tpu.memory_space<hbm>>
      tpu.wait_dma2 semaphore(%arg17 : memref<!tpu.dma_semaphore, #tpu.memory_space<semaphore_mem>>) src(%dma_wait3A_80 : memref<128x128xf32, #tpu.memory_space<hbm>>) dst(%arg8 : memref<128x128xf32, #tpu.memory_space<vmem>>)
      %dma_wait3A_81 = arith.constant 0 : i32
      %dma_wait3A_82 = arith.constant 0 : i32
      %dma_wait3A_83 = tpu.memref_slice %arg2[%dma_wait3A_81, %dma_wait3A_82] : memref<320000x128xf32, #tpu.memory_space<hbm>> -> memref<128x128xf32, #tpu.memory_space<hbm>>
      %dma_wait3A_84 = arith.constant 0 : i32
      %dma_wait3A_85 = arith.constant 0 : i32
      %dma_wait3A_86 = tpu.memref_slice %arg2[%dma_wait3A_84, %dma_wait3A_85] : memref<320000x128xf32, #tpu.memory_space<hbm>> -> memref<128x128xf32, #tpu.memory_space<hbm>>
      tpu.wait_dma2 semaphore(%arg18 : memref<!tpu.dma_semaphore, #tpu.memory_space<semaphore_mem>>) src(%dma_wait3A_86 : memref<128x128xf32, #tpu.memory_space<hbm>>) dst(%arg9 : memref<128x128xf32, #tpu.memory_space<vmem>>)
      %gt3A_87 = arith.constant 0 : i32
      %gt3A_88 = arith.cmpi sgt, %div3A_66, %gt3A_87 : i32
      %convert_element_type3A_89 = arith.extui %gt3A_88 : i1 to i32
      %cond3A_90 = arith.constant 0 : i32
      %cond3A_91 = arith.cmpi ne, %convert_element_type3A_89, %cond3A_90 : i32
      scf.if %cond3A_91 {
        %dma_wait3A_98 = arith.constant 0 : i32
        %dma_wait3A_99 = arith.constant 0 : i32
        %dma_wait3A_100 = tpu.memref_slice %arg16[%dma_wait3A_98, %dma_wait3A_99] : memref<5056x128xf32, #tpu.memory_space<vmem_shared>> -> memref<5056x128xf32, #tpu.memory_space<vmem_shared>>
        tpu.wait_indirect_dma semaphore(%arg20 : memref<!tpu.dma_semaphore, #tpu.memory_space<semaphore_mem>>) src(%arg10 : memref<128x128xf32, #tpu.memory_space<vmem>>) dst(%dma_wait3A_100 : memref<5056x128xf32, #tpu.memory_space<vmem_shared>>)
        %dma_wait3A_101 = arith.constant 0 : i32
        %dma_wait3A_102 = arith.constant 0 : i32
        %dma_wait3A_103 = tpu.memref_slice %arg16[%dma_wait3A_101, %dma_wait3A_102] : memref<5056x128xf32, #tpu.memory_space<vmem_shared>> -> memref<5056x128xf32, #tpu.memory_space<vmem_shared>>
        tpu.wait_indirect_dma semaphore(%arg22 : memref<!tpu.dma_semaphore, #tpu.memory_space<semaphore_mem>>) src(%arg10 : memref<128x128xf32, #tpu.memory_space<vmem>>) dst(%dma_wait3A_103 : memref<5056x128xf32, #tpu.memory_space<vmem_shared>>)
      } else {
      }
      %rem3A = arith.constant 2 : i32
      %rem3A_92 = arith.remsi %max3A_31, %rem3A : i32
      %eq3A_93 = arith.constant 1 : i32
      %eq3A_94 = arith.cmpi eq, %rem3A_92, %eq3A_93 : i32
      %convert_element_type3A_95 = arith.extui %eq3A_94 : i1 to i32
      %cond3A_96 = arith.constant 0 : i32
      %cond3A_97 = arith.cmpi ne, %convert_element_type3A_95, %cond3A_96 : i32
      scf.if %cond3A_97 {
        %get3A = arith.constant 0 : index
        %get3A_98 = tpu.vector_load %arg11[%get3A] {strides = array<i32>} : memref<128xi32, #tpu.memory_space<vmem>>, vector<16xi32>,
        %get3A_99 = vector.shape_cast %get3A_98 : vector<16xi32> to vector<16xi32>
        %ge3A = vector.broadcast %mul3A_0 : i32 to vector<16xi32>
        %ge3A_100 = arith.cmpi sge, %get3A_99, %ge3A : vector<16xi32>
        %lt3A = vector.broadcast %add3A_1 : i32 to vector<16xi32>
        %lt3A_101 = arith.cmpi slt, %get3A_99, %lt3A : vector<16xi32>
        %and3A = arith.andi %ge3A_100, %lt3A_101 : vector<16xi1>
        %sub3A_102 = vector.broadcast %mul3A_0 : i32 to vector<16xi32>
        %sub3A_103 = arith.subi %get3A_99, %sub3A_102 : vector<16xi32>
        %jit3A_104 = arith.constant 5000 : i32
        %broadcast_in_dim3A = vector.broadcast %jit3A_104 : i32 to vector<16xi32>
        %select_n3A_105 = arith.select %and3A, %sub3A_103, %broadcast_in_dim3A : vector<16xi1>, vector<16xi32>
        %swap3A = arith.constant 0 : index
        %swap3A_106 = tpu.vector_load %arg13[%swap3A] {strides = array<i32>} : memref<128xi32, #tpu.memory_space<vmem>>, vector<16xi32>,
        %swap3A_107 = vector.shape_cast %swap3A_106 : vector<16xi32> to vector<16xi32>
        %swap3A_108 = vector.shape_cast %select_n3A_105 : vector<16xi32> to vector<16xi32>
        tpu.vector_store %arg13[%swap3A], %swap3A_108 {strides = array<i32>} : memref<128xi32, #tpu.memory_space<vmem>>, vector<16xi32>,
        %get3A_109 = arith.constant 16 : index
        %get3A_110 = tpu.vector_load %arg11[%get3A_109] {strides = array<i32>} : memref<128xi32, #tpu.memory_space<vmem>>, vector<16xi32>,
        %get3A_111 = vector.shape_cast %get3A_110 : vector<16xi32> to vector<16xi32>
        %ge3A_112 = vector.broadcast %mul3A_0 : i32 to vector<16xi32>
        %ge3A_113 = arith.cmpi sge, %get3A_111, %ge3A_112 : vector<16xi32>
        %lt3A_114 = vector.broadcast %add3A_1 : i32 to vector<16xi32>
        %lt3A_115 = arith.cmpi slt, %get3A_111, %lt3A_114 : vector<16xi32>
        %and3A_116 = arith.andi %ge3A_113, %lt3A_115 : vector<16xi1>
        %sub3A_117 = vector.broadcast %mul3A_0 : i32 to vector<16xi32>
        %sub3A_118 = arith.subi %get3A_111, %sub3A_117 : vector<16xi32>
        %jit3A_119 = arith.constant 5000 : i32
        %broadcast_in_dim3A_120 = vector.broadcast %jit3A_119 : i32 to vector<16xi32>
        %select_n3A_121 = arith.select %and3A_116, %sub3A_118, %broadcast_in_dim3A_120 : vector<16xi1>, vector<16xi32>
        %swap3A_122 = arith.constant 16 : index
        %swap3A_123 = tpu.vector_load %arg13[%swap3A_122] {strides = array<i32>} : memref<128xi32, #tpu.memory_space<vmem>>, vector<16xi32>,
        %swap3A_124 = vector.shape_cast %swap3A_123 : vector<16xi32> to vector<16xi32>
        %swap3A_125 = vector.shape_cast %select_n3A_121 : vector<16xi32> to vector<16xi32>
        tpu.vector_store %arg13[%swap3A_122], %swap3A_125 {strides = array<i32>} : memref<128xi32, #tpu.memory_space<vmem>>, vector<16xi32>,
        %get3A_126 = arith.constant 32 : index
        %get3A_127 = tpu.vector_load %arg11[%get3A_126] {strides = array<i32>} : memref<128xi32, #tpu.memory_space<vmem>>, vector<16xi32>,
        %get3A_128 = vector.shape_cast %get3A_127 : vector<16xi32> to vector<16xi32>
        %ge3A_129 = vector.broadcast %mul3A_0 : i32 to vector<16xi32>
        %ge3A_130 = arith.cmpi sge, %get3A_128, %ge3A_129 : vector<16xi32>
        %lt3A_131 = vector.broadcast %add3A_1 : i32 to vector<16xi32>
        %lt3A_132 = arith.cmpi slt, %get3A_128, %lt3A_131 : vector<16xi32>
        %and3A_133 = arith.andi %ge3A_130, %lt3A_132 : vector<16xi1>
        %sub3A_134 = vector.broadcast %mul3A_0 : i32 to vector<16xi32>
        %sub3A_135 = arith.subi %get3A_128, %sub3A_134 : vector<16xi32>
        %jit3A_136 = arith.constant 5000 : i32
        %broadcast_in_dim3A_137 = vector.broadcast %jit3A_136 : i32 to vector<16xi32>
        %select_n3A_138 = arith.select %and3A_133, %sub3A_135, %broadcast_in_dim3A_137 : vector<16xi1>, vector<16xi32>
        %swap3A_139 = arith.constant 32 : index
        %swap3A_140 = tpu.vector_load %arg13[%swap3A_139] {strides = array<i32>} : memref<128xi32, #tpu.memory_space<vmem>>, vector<16xi32>,
        %swap3A_141 = vector.shape_cast %swap3A_140 : vector<16xi32> to vector<16xi32>
        %swap3A_142 = vector.shape_cast %select_n3A_138 : vector<16xi32> to vector<16xi32>
        tpu.vector_store %arg13[%swap3A_139], %swap3A_142 {strides = array<i32>} : memref<128xi32, #tpu.memory_space<vmem>>, vector<16xi32>,
        %get3A_143 = arith.constant 48 : index
        %get3A_144 = tpu.vector_load %arg11[%get3A_143] {strides = array<i32>} : memref<128xi32, #tpu.memory_space<vmem>>, vector<16xi32>,
        %get3A_145 = vector.shape_cast %get3A_144 : vector<16xi32> to vector<16xi32>
        %ge3A_146 = vector.broadcast %mul3A_0 : i32 to vector<16xi32>
        %ge3A_147 = arith.cmpi sge, %get3A_145, %ge3A_146 : vector<16xi32>
        %lt3A_148 = vector.broadcast %add3A_1 : i32 to vector<16xi32>
        %lt3A_149 = arith.cmpi slt, %get3A_145, %lt3A_148 : vector<16xi32>
        %and3A_150 = arith.andi %ge3A_147, %lt3A_149 : vector<16xi1>
        %sub3A_151 = vector.broadcast %mul3A_0 : i32 to vector<16xi32>
        %sub3A_152 = arith.subi %get3A_145, %sub3A_151 : vector<16xi32>
        %jit3A_153 = arith.constant 5000 : i32
        %broadcast_in_dim3A_154 = vector.broadcast %jit3A_153 : i32 to vector<16xi32>
        %select_n3A_155 = arith.select %and3A_150, %sub3A_152, %broadcast_in_dim3A_154 : vector<16xi1>, vector<16xi32>
        %swap3A_156 = arith.constant 48 : index
        %swap3A_157 = tpu.vector_load %arg13[%swap3A_156] {strides = array<i32>} : memref<128xi32, #tpu.memory_space<vmem>>, vector<16xi32>,
        %swap3A_158 = vector.shape_cast %swap3A_157 : vector<16xi32> to vector<16xi32>
        %swap3A_159 = vector.shape_cast %select_n3A_155 : vector<16xi32> to vector<16xi32>
        tpu.vector_store %arg13[%swap3A_156], %swap3A_159 {strides = array<i32>} : memref<128xi32, #tpu.memory_space<vmem>>, vector<16xi32>,
        %get3A_160 = arith.constant 64 : index
        %get3A_161 = tpu.vector_load %arg11[%get3A_160] {strides = array<i32>} : memref<128xi32, #tpu.memory_space<vmem>>, vector<16xi32>,
        %get3A_162 = vector.shape_cast %get3A_161 : vector<16xi32> to vector<16xi32>
        %ge3A_163 = vector.broadcast %mul3A_0 : i32 to vector<16xi32>
        %ge3A_164 = arith.cmpi sge, %get3A_162, %ge3A_163 : vector<16xi32>
        %lt3A_165 = vector.broadcast %add3A_1 : i32 to vector<16xi32>
        %lt3A_166 = arith.cmpi slt, %get3A_162, %lt3A_165 : vector<16xi32>
        %and3A_167 = arith.andi %ge3A_164, %lt3A_166 : vector<16xi1>
        %sub3A_168 = vector.broadcast %mul3A_0 : i32 to vector<16xi32>
        %sub3A_169 = arith.subi %get3A_162, %sub3A_168 : vector<16xi32>
        %jit3A_170 = arith.constant 5000 : i32
        %broadcast_in_dim3A_171 = vector.broadcast %jit3A_170 : i32 to vector<16xi32>
        %select_n3A_172 = arith.select %and3A_167, %sub3A_169, %broadcast_in_dim3A_171 : vector<16xi1>, vector<16xi32>
        %swap3A_173 = arith.constant 64 : index
        %swap3A_174 = tpu.vector_load %arg13[%swap3A_173] {strides = array<i32>} : memref<128xi32, #tpu.memory_space<vmem>>, vector<16xi32>,
        %swap3A_175 = vector.shape_cast %swap3A_174 : vector<16xi32> to vector<16xi32>
        %swap3A_176 = vector.shape_cast %select_n3A_172 : vector<16xi32> to vector<16xi32>
        tpu.vector_store %arg13[%swap3A_173], %swap3A_176 {strides = array<i32>} : memref<128xi32, #tpu.memory_space<vmem>>, vector<16xi32>,
        %get3A_177 = arith.constant 80 : index
        %get3A_178 = tpu.vector_load %arg11[%get3A_177] {strides = array<i32>} : memref<128xi32, #tpu.memory_space<vmem>>, vector<16xi32>,
        %get3A_179 = vector.shape_cast %get3A_178 : vector<16xi32> to vector<16xi32>
        %ge3A_180 = vector.broadcast %mul3A_0 : i32 to vector<16xi32>
        %ge3A_181 = arith.cmpi sge, %get3A_179, %ge3A_180 : vector<16xi32>
        %lt3A_182 = vector.broadcast %add3A_1 : i32 to vector<16xi32>
        %lt3A_183 = arith.cmpi slt, %get3A_179, %lt3A_182 : vector<16xi32>
        %and3A_184 = arith.andi %ge3A_181, %lt3A_183 : vector<16xi1>
        %sub3A_185 = vector.broadcast %mul3A_0 : i32 to vector<16xi32>
        %sub3A_186 = arith.subi %get3A_179, %sub3A_185 : vector<16xi32>
        %jit3A_187 = arith.constant 5000 : i32
        %broadcast_in_dim3A_188 = vector.broadcast %jit3A_187 : i32 to vector<16xi32>
        %select_n3A_189 = arith.select %and3A_184, %sub3A_186, %broadcast_in_dim3A_188 : vector<16xi1>, vector<16xi32>
        %swap3A_190 = arith.constant 80 : index
        %swap3A_191 = tpu.vector_load %arg13[%swap3A_190] {strides = array<i32>} : memref<128xi32, #tpu.memory_space<vmem>>, vector<16xi32>,
        %swap3A_192 = vector.shape_cast %swap3A_191 : vector<16xi32> to vector<16xi32>
        %swap3A_193 = vector.shape_cast %select_n3A_189 : vector<16xi32> to vector<16xi32>
        tpu.vector_store %arg13[%swap3A_190], %swap3A_193 {strides = array<i32>} : memref<128xi32, #tpu.memory_space<vmem>>, vector<16xi32>,
        %get3A_194 = arith.constant 96 : index
        %get3A_195 = tpu.vector_load %arg11[%get3A_194] {strides = array<i32>} : memref<128xi32, #tpu.memory_space<vmem>>, vector<16xi32>,
        %get3A_196 = vector.shape_cast %get3A_195 : vector<16xi32> to vector<16xi32>
        %ge3A_197 = vector.broadcast %mul3A_0 : i32 to vector<16xi32>
        %ge3A_198 = arith.cmpi sge, %get3A_196, %ge3A_197 : vector<16xi32>
        %lt3A_199 = vector.broadcast %add3A_1 : i32 to vector<16xi32>
        %lt3A_200 = arith.cmpi slt, %get3A_196, %lt3A_199 : vector<16xi32>
        %and3A_201 = arith.andi %ge3A_198, %lt3A_200 : vector<16xi1>
        %sub3A_202 = vector.broadcast %mul3A_0 : i32 to vector<16xi32>
        %sub3A_203 = arith.subi %get3A_196, %sub3A_202 : vector<16xi32>
        %jit3A_204 = arith.constant 5000 : i32
        %broadcast_in_dim3A_205 = vector.broadcast %jit3A_204 : i32 to vector<16xi32>
        %select_n3A_206 = arith.select %and3A_201, %sub3A_203, %broadcast_in_dim3A_205 : vector<16xi1>, vector<16xi32>
        %swap3A_207 = arith.constant 96 : index
        %swap3A_208 = tpu.vector_load %arg13[%swap3A_207] {strides = array<i32>} : memref<128xi32, #tpu.memory_space<vmem>>, vector<16xi32>,
        %swap3A_209 = vector.shape_cast %swap3A_208 : vector<16xi32> to vector<16xi32>
        %swap3A_210 = vector.shape_cast %select_n3A_206 : vector<16xi32> to vector<16xi32>
        tpu.vector_store %arg13[%swap3A_207], %swap3A_210 {strides = array<i32>} : memref<128xi32, #tpu.memory_space<vmem>>, vector<16xi32>,
        %get3A_211 = arith.constant 112 : index
        %get3A_212 = tpu.vector_load %arg11[%get3A_211] {strides = array<i32>} : memref<128xi32, #tpu.memory_space<vmem>>, vector<16xi32>,
        %get3A_213 = vector.shape_cast %get3A_212 : vector<16xi32> to vector<16xi32>
        %ge3A_214 = vector.broadcast %mul3A_0 : i32 to vector<16xi32>
        %ge3A_215 = arith.cmpi sge, %get3A_213, %ge3A_214 : vector<16xi32>
        %lt3A_216 = vector.broadcast %add3A_1 : i32 to vector<16xi32>
        %lt3A_217 = arith.cmpi slt, %get3A_213, %lt3A_216 : vector<16xi32>
        %and3A_218 = arith.andi %ge3A_215, %lt3A_217 : vector<16xi1>
        %sub3A_219 = vector.broadcast %mul3A_0 : i32 to vector<16xi32>
        %sub3A_220 = arith.subi %get3A_213, %sub3A_219 : vector<16xi32>
        %jit3A_221 = arith.constant 5000 : i32
        %broadcast_in_dim3A_222 = vector.broadcast %jit3A_221 : i32 to vector<16xi32>
        %select_n3A_223 = arith.select %and3A_218, %sub3A_220, %broadcast_in_dim3A_222 : vector<16xi1>, vector<16xi32>
        %swap3A_224 = arith.constant 112 : index
        %swap3A_225 = tpu.vector_load %arg13[%swap3A_224] {strides = array<i32>} : memref<128xi32, #tpu.memory_space<vmem>>, vector<16xi32>,
        %swap3A_226 = vector.shape_cast %swap3A_225 : vector<16xi32> to vector<16xi32>
        %swap3A_227 = vector.shape_cast %select_n3A_223 : vector<16xi32> to vector<16xi32>
        tpu.vector_store %arg13[%swap3A_224], %swap3A_227 {strides = array<i32>} : memref<128xi32, #tpu.memory_space<vmem>>, vector<16xi32>,
        %dma_start3A_228 = arith.constant 0 : i32
        %dma_start3A_229 = arith.constant 0 : i32
        %dma_start3A_230 = tpu.memref_slice %arg15[%dma_start3A_228, %dma_start3A_229] : memref<5056x128xf32, #tpu.memory_space<vmem_shared>> -> memref<5056x128xf32, #tpu.memory_space<vmem_shared>>
        tpu.enqueue_indirect_dma source(%arg8 : memref<128x128xf32, #tpu.memory_space<vmem>>) target(%dma_start3A_230 : memref<5056x128xf32, #tpu.memory_space<vmem_shared>>) offsets(%arg13 : memref<128xi32, #tpu.memory_space<vmem>>) semaphore(%arg19 : memref<!tpu.dma_semaphore, #tpu.memory_space<semaphore_mem>>) {add = true}
        %dma_start3A_231 = arith.constant 0 : i32
        %dma_start3A_232 = arith.constant 0 : i32
        %dma_start3A_233 = tpu.memref_slice %arg16[%dma_start3A_231, %dma_start3A_232] : memref<5056x128xf32, #tpu.memory_space<vmem_shared>> -> memref<5056x128xf32, #tpu.memory_space<vmem_shared>>
        tpu.enqueue_indirect_dma source(%arg10 : memref<128x128xf32, #tpu.memory_space<vmem>>) target(%dma_start3A_233 : memref<5056x128xf32, #tpu.memory_space<vmem_shared>>) offsets(%arg13 : memref<128xi32, #tpu.memory_space<vmem>>) semaphore(%arg20 : memref<!tpu.dma_semaphore, #tpu.memory_space<semaphore_mem>>) {add = true}
        %dma_wait3A_234 = arith.constant 0 : i32
        %dma_wait3A_235 = arith.constant 0 : i32
        %dma_wait3A_236 = tpu.memref_slice %arg15[%dma_wait3A_234, %dma_wait3A_235] : memref<5056x128xf32, #tpu.memory_space<vmem_shared>> -> memref<5056x128xf32, #tpu.memory_space<vmem_shared>>
        tpu.wait_indirect_dma semaphore(%arg19 : memref<!tpu.dma_semaphore, #tpu.memory_space<semaphore_mem>>) src(%arg8 : memref<128x128xf32, #tpu.memory_space<vmem>>) dst(%dma_wait3A_236 : memref<5056x128xf32, #tpu.memory_space<vmem_shared>>)
        %dma_wait3A_237 = arith.constant 0 : i32
        %dma_wait3A_238 = arith.constant 0 : i32
        %dma_wait3A_239 = tpu.memref_slice %arg16[%dma_wait3A_237, %dma_wait3A_238] : memref<5056x128xf32, #tpu.memory_space<vmem_shared>> -> memref<5056x128xf32, #tpu.memory_space<vmem_shared>>
        tpu.wait_indirect_dma semaphore(%arg20 : memref<!tpu.dma_semaphore, #tpu.memory_space<semaphore_mem>>) src(%arg10 : memref<128x128xf32, #tpu.memory_space<vmem>>) dst(%dma_wait3A_239 : memref<5056x128xf32, #tpu.memory_space<vmem_shared>>)
      } else {
      }
    } else {
    }
    %barrier3A_34 = arith.constant 0 : index
    tpu.barrier barrier_id(%barrier3A_34)
    %mul3A_35 = arith.constant 320 : i32
    %mul3A_36 = arith.muli %arg1, %mul3A_35 : i32
    %min3A_37 = arith.constant 4736 : i32
    %min3A_38 = arith.minsi %mul3A_36, %min3A_37 : i32
    %mul3A_39 = arith.constant 5056 : i32
    %mul3A_40 = arith.muli %arg0, %mul3A_39 : i32
    %add3A_41 = arith.addi %mul3A_40, %min3A_38 : i32
    "tpu.region"() ({
      %run_scoped3A = tpu.sem_alloc : memref<!tpu.dma_semaphore, #tpu.memory_space<semaphore_mem>>
      %dma_start3A = arith.constant 0 : i32
      %dma_start3A_45 = tpu.memref_slice %arg6[%add3A_41, %dma_start3A] : memref<10112x128xf32, #tpu.memory_space<hbm>> -> memref<320x128xf32, #tpu.memory_space<hbm>>
      %dma_start3A_46 = arith.constant 0 : i32
      %dma_start3A_47 = tpu.memref_slice %arg15[%min3A_38, %dma_start3A_46] : memref<5056x128xf32, #tpu.memory_space<vmem_shared>> -> memref<320x128xf32, #tpu.memory_space<vmem_shared>>
      tpu.enqueue_dma source(%dma_start3A_47 : memref<320x128xf32, #tpu.memory_space<vmem_shared>>) target(%dma_start3A_45 : memref<320x128xf32, #tpu.memory_space<hbm>>) target_semaphore(%run_scoped3A : memref<!tpu.dma_semaphore, #tpu.memory_space<semaphore_mem>>)
      %dma_wait3A = arith.constant 0 : i32
      %dma_wait3A_48 = tpu.memref_slice %arg6[%add3A_41, %dma_wait3A] : memref<10112x128xf32, #tpu.memory_space<hbm>> -> memref<320x128xf32, #tpu.memory_space<hbm>>
      %dma_wait3A_49 = arith.constant 0 : i32
      %dma_wait3A_50 = tpu.memref_slice %arg15[%min3A_38, %dma_wait3A_49] : memref<5056x128xf32, #tpu.memory_space<vmem_shared>> -> memref<320x128xf32, #tpu.memory_space<vmem_shared>>
      tpu.wait_dma2 semaphore(%run_scoped3A : memref<!tpu.dma_semaphore, #tpu.memory_space<semaphore_mem>>) src(%dma_wait3A_50 : memref<320x128xf32, #tpu.memory_space<vmem_shared>>) dst(%dma_wait3A_48 : memref<320x128xf32, #tpu.memory_space<hbm>>)
      tpu.yield
    }) : () -> ()
    %mul3A_42 = arith.constant 5056 : i32
    %mul3A_43 = arith.muli %arg0, %mul3A_42 : i32
    %add3A_44 = arith.addi %mul3A_43, %min3A_38 : i32
    "tpu.region"() ({
      %run_scoped3A = tpu.sem_alloc : memref<!tpu.dma_semaphore, #tpu.memory_space<semaphore_mem>>
      %dma_start3A = arith.constant 0 : i32
      %dma_start3A_45 = tpu.memref_slice %arg7[%add3A_44, %dma_start3A] : memref<10112x128xf32, #tpu.memory_space<hbm>> -> memref<320x128xf32, #tpu.memory_space<hbm>>
      %dma_start3A_46 = arith.constant 0 : i32
      %dma_start3A_47 = tpu.memref_slice %arg16[%min3A_38, %dma_start3A_46] : memref<5056x128xf32, #tpu.memory_space<vmem_shared>> -> memref<320x128xf32, #tpu.memory_space<vmem_shared>>
      tpu.enqueue_dma source(%dma_start3A_47 : memref<320x128xf32, #tpu.memory_space<vmem_shared>>) target(%dma_start3A_45 : memref<320x128xf32, #tpu.memory_space<hbm>>) target_semaphore(%run_scoped3A : memref<!tpu.dma_semaphore, #tpu.memory_space<semaphore_mem>>)
      %dma_wait3A = arith.constant 0 : i32
      %dma_wait3A_48 = tpu.memref_slice %arg7[%add3A_44, %dma_wait3A] : memref<10112x128xf32, #tpu.memory_space<hbm>> -> memref<320x128xf32, #tpu.memory_space<hbm>>
      %dma_wait3A_49 = arith.constant 0 : i32
      %dma_wait3A_50 = tpu.memref_slice %arg16[%min3A_38, %dma_wait3A_49] : memref<5056x128xf32, #tpu.memory_space<vmem_shared>> -> memref<320x128xf32, #tpu.memory_space<vmem_shared>>
      tpu.wait_dma2 semaphore(%run_scoped3A : memref<!tpu.dma_semaphore, #tpu.memory_space<semaphore_mem>>) src(%dma_wait3A_50 : memref<320x128xf32, #tpu.memory_space<vmem_shared>>) dst(%dma_wait3A_48 : memref<320x128xf32, #tpu.memory_space<hbm>>)
      tpu.yield
    }) : () -> ()
    return
  }
}

module attributes {stable_mosaic.version = 14 : i64} {
  func.func @_merge_body(%arg0: i32, %arg1: memref<1x1000x128xf32, #tpu.memory_space<vmem>>, %arg2: memref<1x1000x128xf32, #tpu.memory_space<vmem>>, %arg3: memref<1000x128xf32, #tpu.memory_space<vmem>>) attributes {dimension_semantics = [#tpu.dimension_semantics<arbitrary>], iteration_bounds = array<i64: 10>, scalar_prefetch = 0 : i64, scratch_operands = 0 : i64, tpu.core_type = #tpu.core_type<tc>, window_params = [{transform_indices = @transform_0, window_bounds = array<i64: 1, 1000, 128>}, {transform_indices = @transform_1, window_bounds = array<i64: 1, 1000, 128>}, {transform_indices = @transform_2, window_bounds = array<i64: 1000, 128>}]} {
    %get3A = arith.constant 0 : index
    %get3A_0 = arith.constant 0 : index
    %get3A_1 = arith.constant 0 : index
    %get3A_2 = vector.load %arg1[%get3A, %get3A_0, %get3A_1] : memref<1x1000x128xf32, #tpu.memory_space<vmem>>, vector<1x1000x128xf32>
    %get3A_3 = vector.shape_cast %get3A_2 : vector<1x1000x128xf32> to vector<1000x128xf32>
    %get3A_4 = arith.constant 0 : index
    %get3A_5 = arith.constant 0 : index
    %get3A_6 = arith.constant 0 : index
    %get3A_7 = vector.load %arg2[%get3A_4, %get3A_5, %get3A_6] : memref<1x1000x128xf32, #tpu.memory_space<vmem>>, vector<1x1000x128xf32>
    %get3A_8 = vector.shape_cast %get3A_7 : vector<1x1000x128xf32> to vector<1000x128xf32>
    %div3A = arith.divf %get3A_3, %get3A_8 : vector<1000x128xf32>
    %swap3A = arith.constant 0 : index
    %swap3A_9 = arith.constant 0 : index
    %swap3A_10 = vector.load %arg3[%swap3A, %swap3A_9] : memref<1000x128xf32, #tpu.memory_space<vmem>>, vector<1000x128xf32>
    tpu.vector_store %arg3[%swap3A, %swap3A_9], %div3A {strides = array<i32>} : memref<1000x128xf32, #tpu.memory_space<vmem>>, vector<1000x128xf32>,
    return
  }
  func.func @transform_0(%arg0: i32) -> (i32, i32, i32) {
    %jit3A = arith.constant 5 : i32
    %div3A = arith.divsi %arg0, %jit3A : i32
    %sign3A = arith.constant 0 : i32
    %sign3A_0 = arith.cmpi sgt, %arg0, %sign3A : i32
    %sign3A_1 = arith.extui %sign3A_0 : i1 to i32
    %sign3A_2 = arith.constant 0 : i32
    %sign3A_3 = arith.cmpi slt, %arg0, %sign3A_2 : i32
    %sign3A_4 = arith.extui %sign3A_3 : i1 to i32
    %sign3A_5 = arith.subi %sign3A_1, %sign3A_4 : i32
    %sign3A_6 = arith.constant 0 : i32
    %sign3A_7 = arith.cmpi sgt, %jit3A, %sign3A_6 : i32
    %sign3A_8 = arith.extui %sign3A_7 : i1 to i32
    %sign3A_9 = arith.constant 0 : i32
    %sign3A_10 = arith.cmpi slt, %jit3A, %sign3A_9 : i32
    %sign3A_11 = arith.extui %sign3A_10 : i1 to i32
    %sign3A_12 = arith.subi %sign3A_8, %sign3A_11 : i32
    %ne3A = arith.cmpi ne, %sign3A_5, %sign3A_12 : i32
    %rem3A = arith.remsi %arg0, %jit3A : i32
    %ne3A_13 = arith.constant 0 : i32
    %ne3A_14 = arith.cmpi ne, %rem3A, %ne3A_13 : i32
    %and3A = arith.andi %ne3A, %ne3A_14 : i1
    %sub3A = arith.constant 1 : i32
    %sub3A_15 = arith.subi %div3A, %sub3A : i32
    %select_n3A = arith.select %and3A, %sub3A_15, %div3A : i32
    %jit3A_16 = arith.constant 5 : i32
    %eq3A = arith.constant 0 : i32
    %eq3A_17 = arith.cmpi eq, %jit3A_16, %eq3A : i32
    %jit3A_18 = arith.constant 1 : i32
    %select_n3A_19 = arith.select %eq3A_17, %jit3A_18, %jit3A_16 : i32
    %rem3A_20 = arith.remsi %arg0, %select_n3A_19 : i32
    %ne3A_21 = arith.constant 0 : i32
    %ne3A_22 = arith.cmpi ne, %rem3A_20, %ne3A_21 : i32
    %lt3A = arith.constant 0 : i32
    %lt3A_23 = arith.cmpi slt, %rem3A_20, %lt3A : i32
    %lt3A_24 = arith.constant 0 : i32
    %lt3A_25 = arith.cmpi slt, %select_n3A_19, %lt3A_24 : i32
    %ne3A_26 = arith.xori %lt3A_23, %lt3A_25 : i1
    %and3A_27 = arith.andi %ne3A_26, %ne3A_22 : i1
    %add3A = arith.addi %rem3A_20, %select_n3A_19 : i32
    %select_n3A_28 = arith.select %and3A_27, %add3A, %rem3A_20 : i32
    %c0_i32 = arith.constant 0 : i32
    %c0_i32_29 = arith.constant 0 : i32
    return %select_n3A, %select_n3A_28, %c0_i32 : i32, i32, i32
  }
  func.func @transform_1(%arg0: i32) -> (i32, i32, i32) {
    %jit3A = arith.constant 5 : i32
    %div3A = arith.divsi %arg0, %jit3A : i32
    %sign3A = arith.constant 0 : i32
    %sign3A_0 = arith.cmpi sgt, %arg0, %sign3A : i32
    %sign3A_1 = arith.extui %sign3A_0 : i1 to i32
    %sign3A_2 = arith.constant 0 : i32
    %sign3A_3 = arith.cmpi slt, %arg0, %sign3A_2 : i32
    %sign3A_4 = arith.extui %sign3A_3 : i1 to i32
    %sign3A_5 = arith.subi %sign3A_1, %sign3A_4 : i32
    %sign3A_6 = arith.constant 0 : i32
    %sign3A_7 = arith.cmpi sgt, %jit3A, %sign3A_6 : i32
    %sign3A_8 = arith.extui %sign3A_7 : i1 to i32
    %sign3A_9 = arith.constant 0 : i32
    %sign3A_10 = arith.cmpi slt, %jit3A, %sign3A_9 : i32
    %sign3A_11 = arith.extui %sign3A_10 : i1 to i32
    %sign3A_12 = arith.subi %sign3A_8, %sign3A_11 : i32
    %ne3A = arith.cmpi ne, %sign3A_5, %sign3A_12 : i32
    %rem3A = arith.remsi %arg0, %jit3A : i32
    %ne3A_13 = arith.constant 0 : i32
    %ne3A_14 = arith.cmpi ne, %rem3A, %ne3A_13 : i32
    %and3A = arith.andi %ne3A, %ne3A_14 : i1
    %sub3A = arith.constant 1 : i32
    %sub3A_15 = arith.subi %div3A, %sub3A : i32
    %select_n3A = arith.select %and3A, %sub3A_15, %div3A : i32
    %jit3A_16 = arith.constant 5 : i32
    %eq3A = arith.constant 0 : i32
    %eq3A_17 = arith.cmpi eq, %jit3A_16, %eq3A : i32
    %jit3A_18 = arith.constant 1 : i32
    %select_n3A_19 = arith.select %eq3A_17, %jit3A_18, %jit3A_16 : i32
    %rem3A_20 = arith.remsi %arg0, %select_n3A_19 : i32
    %ne3A_21 = arith.constant 0 : i32
    %ne3A_22 = arith.cmpi ne, %rem3A_20, %ne3A_21 : i32
    %lt3A = arith.constant 0 : i32
    %lt3A_23 = arith.cmpi slt, %rem3A_20, %lt3A : i32
    %lt3A_24 = arith.constant 0 : i32
    %lt3A_25 = arith.cmpi slt, %select_n3A_19, %lt3A_24 : i32
    %ne3A_26 = arith.xori %lt3A_23, %lt3A_25 : i1
    %and3A_27 = arith.andi %ne3A_26, %ne3A_22 : i1
    %add3A = arith.addi %rem3A_20, %select_n3A_19 : i32
    %select_n3A_28 = arith.select %and3A_27, %add3A, %rem3A_20 : i32
    %c0_i32 = arith.constant 0 : i32
    %c0_i32_29 = arith.constant 0 : i32
    return %select_n3A, %select_n3A_28, %c0_i32 : i32, i32, i32
  }
  func.func @transform_2(%arg0: i32) -> (i32, i32) {
    %c0_i32 = arith.constant 0 : i32
    %c0_i32_0 = arith.constant 0 : i32
    return %arg0, %c0_i32 : i32, i32
  }
}

</mosaic_0001>

<sc_bundles>
// kernel: kernel.4.cloned.1.call-start
scs
__scs_entry_jumppad:
0x0: {  	(pc) =	sbr.rel $0x88, $3  }
0x1: {  	(tag) =	ssettag $0x0;
	lr =	simm.s32 $0x1  }
0x2: {  	[smem:$0x3F9F] =	sst lr;
	_ =	strace $0xD0000000  }
0x3: {  	_ = 	snop  }
0x4: {  	_ = 	snop  }
0x5: {  	_ = 	snop  }
0x6: {  	_ = 	snop  }
0x7: {  	_ = 	snop  }
__scs_overlays_trampoline_lowered:
0x8: {  	[smem:$0x3FAE] =	sst s0  }
0x9: {  	[smem:$0x3FAF] =	sst s1  }
0xa: {  	[smem:$0x3FB0] =	sst s2  }
0xb: {  	[smem:$0x3FB1] =	sst s3  }
0xc: {  	[smem:$0x3FB2] =	sst s4  }
0xd: {  	[smem:$0x3FB3] =	sst s5  }
0xe: {  	[smem:$0x3FB4] =	sst s6  }
0xf: {  	[smem:$0x3FB5] =	sst s7  }
0x10: {  	[smem:$0x3FB6] =	sst s8  }
0x11: {  	[smem:$0x3FB7] =	sst s9;
	s0 =	simm.s32 @!p0 $0x0  }
0x12: {  	s1 =	sld [smem:$0x3F9D];
	s0 =	simm.s32 @p0 $0x1  }
0x13: {  	[smem:$0x3FB8] =	sst s0;
	s0 =	simm.s32 @!p1 $0x0  }
0x14: {  	s2 =	sld [smem:$0x3F9C];
	s0 =	simm.s32 @p1 $0x1  }
0x15: {  	[smem:$0x3FB9] =	sst s0;
	s0 =	simm.s32 @!p2 $0x0  }
0x16: {  	s3 =	sld [smem:$0x3FDB];
	s0 =	simm.s32 @p2 $0x1  }
0x17: {  	s4 =	simm.s32 $0x1BF5;
	[smem:$0x3FBB] =	sst s0  }
0x18: {  	s0 =	sld [smem:$0x3F9E];
	_ =	swait.ge [sflag:s4], $0x0  }
0x19: {  	s7 =	sld [smem:$0x3F9F]  }
0x1a: {  	s8 =	sadd.s32 $0xFFFFE003, lr  }
0x1b: {  	s9 =	sadd.s32 $0xFFFFFEF7, lr;
	s5 =	simm.s32 $0xFFFFFFFF;
	p2 =	slt.u32 s8, $0xFFFFF086  }
0x1c: {  	p1 =	slt.u32 s9, $0xF7A;
	s5 =	simm.s32 @!p2 $0x0  }
0x1d: {  	s5 =	simm.s32 @p1 $0x1;
	p0 =	seq.s32 s7, s2  }
0x1e: {  	s7 =	smul.u32 @!p0 $0xF7A, s2;
	p2 =	seq.s32 @!p0 s5, $0x0  }
0x1f: {  	s9 =	smul.u32 $0xF7A, s1;
	s8 =	simm.s32 @!p0 $0x1BF5;
	p2 =	por !p2, p0  }
0x20: {  	[sflag:s8] =	ssyncset.s32 @!p0 $0xFFFFF086;
	s6 =	sadd.s32 @!p0 s3, s7;
	s7 =	simm.s32 @!p0 $0x108  }
0x21: {  	s3 =	sadd.s32 s3, s9;
	s6 =	sadd.s32 @!p0 $0x88, s6;
	s7 =	simm.s32 @p2 $0x1082  }
0x22: {  	[simem:s7], [sflag:s8] =	dma.local @!p0 [hbm:s6], $0xF7A  }
0x23: {  	s9 =	sor.u32 $0xD0000000, s2;
	s6 =	simm.s32 $0x108;
	_ =	swait.ge @!p0 [sflag:s8], $0x0  }
0x24: {  	s3 =	sadd.s32 $0x88, s3;
	s6 =	simm.s32 @!p1 $0x1082;
	[sflag:s4] =	ssyncset.s32 $0xFFFFF086  }
0x25: {  	[simem:s6], [sflag:s4] =	dma.local [hbm:s3], $0xF7A  }
0x26: {  	[smem:$0x3F9F] =	sst s1;
	(tag) =	ssettag s2;
	_ =	strace s9  }
0x27: {  	s1 =	sld [smem:$0x3FAF]  }
0x28: {  	s2 =	sld [smem:$0x3FB0]  }
0x29: {  	s4 =	sld [smem:$0x3FB2]  }
0x2a: {  	p0 =	seq.s32 s5, $0x0;
	s5 =	sld [smem:$0x3FB3]  }
0x2b: {  	s6 =	sld [smem:$0x3FB4]  }
0x2c: {  	s7 =	sld [smem:$0x3FB5]  }
0x2d: {  	s3 =	simm.s32 $0x108;
	s8 =	sld [smem:$0x3FB6]  }
0x2e: {  	s3 =	simm.s32 @!p0 $0x1082;
	s9 =	sld [smem:$0x3FB7]  }
0x2f: {  	lr =	sadd.s32 s0, s3;
	s0 =	sld [smem:$0x3FAE]  }
0x30: {  	s3 =	sld [smem:$0x3FB1]  }
0x31: {  	[smem:$0x3FBA] =	sst s10  }
0x32: {  	s10 =	sld [smem:$0x3FB8];
	_ =	sdelay $0x3  }
0x33: {  	p0 =	seq.s32 s10, $0x1;
	s10 =	sld [smem:$0x3FBA];
	_ =	sdelay $0x3  }
0x34: {  	[smem:$0x3FBA] =	sst s10  }
0x35: {  	s10 =	sld [smem:$0x3FB9];
	_ =	sdelay $0x3  }
0x36: {  	p1 =	seq.s32 s10, $0x1;
	s10 =	sld [smem:$0x3FBA];
	_ =	sdelay $0x3  }
0x37: {  	[smem:$0x3FBA] =	sst s10  }
0x38: {  	s10 =	sld [smem:$0x3FBB]  }
0x39: {  	_ = 	snop;
	(pc) =	sbr.ind lr, $3  }
0x3a: {  	_ = 	snop  }
0x3b: {  	_ = 	snop  }
0x3c: {  	p2 =	seq.s32 s10, $0x1;
	s10 =	sld [smem:$0x3FBA]  }
0x3d: {  	_ =	shalt  }
0x3e: {  	_ =	shalt  }
0x3f: {  	_ =	shalt  }
0x40: {  	_ =	shalt  }
0x41: {  	_ =	shalt  }
0x42: {  	_ =	shalt  }
0x43: {  	_ =	shalt  }
0x44: {  	_ =	shalt  }
0x45: {  	_ =	shalt  }
0x46: {  	_ =	shalt  }
0x47: {  	_ =	shalt  }
0x48: {  	_ =	shalt  }
0x49: {  	_ =	shalt  }
0x4a: {  	_ =	shalt  }
0x4b: {  	_ =	shalt  }
0x4c: {  	_ =	shalt  }
0x4d: {  	_ =	shalt  }
0x4e: {  	_ =	shalt  }
0x4f: {  	_ =	shalt  }
0x50: {  	_ =	shalt  }
0x51: {  	_ =	shalt  }
0x52: {  	_ =	shalt  }
0x53: {  	_ =	shalt  }
0x54: {  	_ =	shalt  }
0x55: {  	_ =	shalt  }
0x56: {  	_ =	shalt  }
0x57: {  	_ =	shalt  }
0x58: {  	_ =	shalt  }
0x59: {  	_ =	shalt  }
0x5a: {  	_ =	shalt  }
0x5b: {  	_ =	shalt  }
0x5c: {  	_ =	shalt  }
0x5d: {  	_ =	shalt  }
0x5e: {  	_ =	shalt  }
0x5f: {  	_ =	shalt  }
0x60: {  	_ =	shalt  }
0x61: {  	_ =	shalt  }
0x62: {  	_ =	shalt  }
0x63: {  	_ =	shalt  }
0x64: {  	_ =	shalt  }
0x65: {  	_ =	shalt  }
0x66: {  	_ =	shalt  }
0x67: {  	_ =	shalt  }
0x68: {  	_ =	shalt  }
0x69: {  	_ =	shalt  }
0x6a: {  	_ =	shalt  }
0x6b: {  	_ =	shalt  }
0x6c: {  	_ =	shalt  }
0x6d: {  	_ =	shalt  }
0x6e: {  	_ =	shalt  }
0x6f: {  	_ =	shalt  }
0x70: {  	_ =	shalt  }
0x71: {  	_ =	shalt  }
0x72: {  	_ =	shalt  }
0x73: {  	_ =	shalt  }
0x74: {  	_ =	shalt  }
0x75: {  	_ =	shalt  }
0x76: {  	_ =	shalt  }
0x77: {  	_ =	shalt  }
0x78: {  	_ =	shalt  }
0x79: {  	_ =	shalt  }
0x7a: {  	_ =	shalt  }
0x7b: {  	_ =	shalt  }
0x7c: {  	_ =	shalt  }
0x7d: {  	_ =	shalt  }
0x7e: {  	_ =	shalt  }
0x7f: {  	_ =	shalt  }
0x80: {  	_ =	shalt  }
0x81: {  	_ =	shalt  }
0x82: {  	_ =	shalt  }
0x83: {  	_ =	shalt  }
0x84: {  	_ =	shalt  }
0x85: {  	_ =	shalt  }
0x86: {  	_ =	shalt  }
0x87: {  	_ =	shalt  }
.Lfunc_end0:
.L_simem_size_0:
called_computation_lowered:
.L_overlay_start_0:
0x88: {  	s2 =	sld [smem:$0x3FD9]  }
0x89: {  	s3 =	sld [smem:$0x3FFE];
	_ =	sdelay $0x1  }
0x8a: {  	s1 =	srdreg.scid  }
0x8b: {  	s0 =	sand.u32 $0x1, s1  }
0x8c: {  	s17 =	sshll.u32 s0, $0xA;
	s2 =	sadd.s32 s3, s2  }
0x8d: {  	s2 =	sadd.s32 s2, s17  }
0x8e: {  	[smem:$0x3FC6] =	sst s2  }
0x8f: {  	_ = 	snop  }
0x90: {  	s2 =	sld [smem:$0x3FC9]  }
0x91: {  	s18 =	sld [smem:$0x3FC8]  }
0x92: {  	s4 =	sld [smem:$0x3FD0];
	(tm) =	ssettm $0x1  }
0x93: {  	s5 =	sld [smem:$0x3FFB];
	_ =	sdelay $0x3  }
0x94: {  	_ =	strace s5  }
0x95: {  	s5 =	sld [smem:$0x3FFC];
	_ =	sdelay $0x3  }
0x96: {  	_ =	strace s5  }
0x97: {  	s5 =	sld [smem:$0x3FFD];
	_ =	sdelay $0x3  }
0x98: {  	_ =	strace s5  }
0x99: {  	_ =	strace $0x8FFFFFFF  }
0x9a: {  	s19 =	sld [smem:$0x3FDB];
	_ =	sdelay $0x1  }
0x9b: {  	s6 =	simm.s32 $_scs_section_size  }
0x9c: {  	s7 =	simm.s32 $_size__tile_overlayer_lowered;
	s8 =	simm.s32 $_tile_overlayer_lowered  }
0x9d: {  	s22 =	simm.s32 $0x1BFF;
	s21 =	sshll.u32 s8, $0x1;
	s5 =	sadd.s32 s6, s19  }
0x9e: {  	s9 =	simm.s32 $0x0;
	s20 =	sshll.u32 s7, $0x1;
	s7 =	sadd.s32 s21, s5  }
0x9f: {  	[timem:s9], [sflag:s22] =	dma.local [hbm:s7], s20  }
0xa0: {  	_ =	swait.ge [sflag:s22], s20  }
0xa1: {  	s6 =	ssub.s32 $0x0, s20;
	[sflag:s22] =	ssyncset.done $0x0  }
0xa2: {  	[sflag:s22] =	ssyncadd.s32 s6;
	_ =	sdelay $0x1  }
0xa3: {  	s23 =	simm.s32 $0x1B8B  }
0xa4: {  	_ =	swait.ge [sflag:s23], $0x1  }
0xa5: {  	[sflag:s23] =	ssyncset.done $0x0  }
0xa6: {  	s25 =	simm.s32 $0x1B8E;
	s24 =	sld [smem:$0x3FFE];
	[sflag:s23] =	ssyncadd.s32 $0xFFFFFFFF  }
0xa7: {  	s26 =	simm.s32 $execute0_lowered;
	[smem:$0x3FD2] =	sst s25  }
0xa8: {  	s7 =	sshll.u32 s26, $0x1;
	_ =	strace $0x80000046;
	[dreg:$0x1] =	wrdreg $0xFFFFFFFF  }
0xa9: {  	s28 =	simm.s32 $_size_execute0_lowered;
	s5 =	sadd.s32 s5, s7;
	[dreg:$0x0] =	wrdreg $0x0  }
0xaa: {  	s7 =	sshll.u32 s28, $0x1;
	[dreg:$0x2] =	wrdreg s5  }
0xab: {  	[dreg:$0x3] =	wrdreg s7  }
0xac: {  	[dreg:$0x4] =	wrdreg $0xC0  }
0xad: {  	_ =	task [dreg:s9], $0x5FFFF  }
0xae: {  	[dreg:$0x1] =	wrdreg $0xFFFFFFFF  }
0xaf: {  	[dreg:$0x0] =	wrdreg $0x60  }
0xb0: {  	[dreg:$0x2] =	wrdreg s2  }
0xb1: {  	[dreg:$0x3] =	wrdreg s18  }
0xb2: {  	[dreg:$0x4] =	wrdreg s4  }
0xb3: {  	[dreg:$0x5] =	wrdreg s24  }
0xb4: {  	[dreg:$0x6] =	wrdreg $0xC2000  }
0xb5: {  	[dreg:$0x7] =	wrdreg $0x160000  }
0xb6: {  	[dreg:$0x8] =	wrdreg $0x9  }
0xb7: {  	_ =	task.clear_ibuf [dreg:s9], $0x9FFFF;
	_ =	strace $0x90000046  }
0xb8: {  	s29 =	simm.s32 $0x9;
	_ =	strace $0x80000048  }
0xb9: {  	_ =	swait.ge [sflag:s29], $0x1  }
0xba: {  	[sflag:s29] =	ssyncadd.s32 $0xFFFFFFFF  }
0xbb: {  	_ =	strace $0x90000048  }
0xbc: {  	_ =	sfence  }
0xbd: {  	s30 =	sld [smem:$0x0];
	_ =	sdelay $0x2  }
0xbe: {  	s31 =	sshll.u32 s1, $0xD;
	s1 =	sshrl.u32 s1, $0x2  }
0xbf: {  	s3 =	sand.u32 $0x4000, s31;
	s1 =	sadd.s32 s1, s30  }
0xc0: {  	s0 =	sor.u32 s3, s0;
	s1 =	sshll.u32 s1, $0x11  }
0xc1: {  	s0 =	sor.u32 s1, s0  }
0xc2: {  	s0 =	sadd.s32 $0x8F2B, s0  }
0xc3: {  	[sflag:s0] =	ssyncadd.remote.s32 $0x1  }
0xc4: {  	_ =	sfence.sel $0xFFFF  }
0xc5: {  	[dreg:$0x0] =	wrdreg $0xFFFFFFFF;
	(pc) =	sbr.abs _section_cstart, $3  }
0xc6: {  	[dreg:$0x1] =	wrdreg $0xFFFFFFFF  }
0xc7: {  	_ =	task.clear_ibuf [dreg:s9], $0x2FFFF;
	_ =	strace $0x9FFFFFFF  }
0xc8: {  	(tm) =	ssettm $0x7FFFFFFF  }
0xc9: {  	_ =	shalt  }
tec
execute0_lowered:
.L_overlay_start_1:
0x0: {  	(tag) =	ssettag $0x1  }
0x1: {  	s1 =	rddreg [dreg:$0x0]  }
0x2: {  	s2 =	rddreg [dreg:$0x1]  }
0x3: {  	s13 =	rddreg [dreg:$0x2]  }
0x4: {  	s0 =	rddreg [dreg:$0x3]  }
0x5: {  	s5 =	rddreg [dreg:$0x4]  }
0x6: {  	s6 =	rddreg [dreg:$0x5]  }
0x7: {  	s3 =	srdreg.scid;
	s14 =	stileid.u32  }
0x8: {  	s7 =	simm.s32 $0x0;
	s18 =	simm.s32 $0x7;
	s19 =	simm.s32 $0x8000  }
0x9: {  	s20 =	simm.s32 $0xC000;
	s21 =	simm.s32 $0xC080;
	s22 =	simm.s32 $0x4000  }
0xa: {  	s28 =	simm.s32 $0x1;
	s29 =	simm.s32 $0x2;
	s30 =	simm.s32 $0xC180  }
0xb: {  	s31 =	simm.s32 $0x5;
	s3 =	sand.u32 $0x1, s3;
	s4 =	smul.u32 $0x140, s14  }
0xc: {  	[smem:$0x7FF] =	sst s7;
	s9 =	sadd.s32 $0xC00, s0;
	s8 =	smul.u32 $0x13C0, s3  }
0xd: {  	_ =	strace $0x80000047;
	[dreg:$0x8] =	wrdreg s9;
	s23 =	ssub.s32 $0x2, s3  }
0xe: {  	s11 =	smul.u32 $0x1388, s3;
	s4 =	smin.u32 s4, $0x1280;
	s10 =	sshrl.u32 s23, $0x1  }
0xf: {  	p0 =	seq.s32 s3, $0x0;
	s8 =	sadd.s32 s8, s4;
	s24 =	ssub.s32 s23, s10  }
0x10: {  	s4 =	sshll.u32 s4, $0x7;
	s26 =	sadd.s32 $0x1388, s11;
	s23 =	simm.s32 $0x80  }
0x11: {  	s8 =	sshll.u32 s8, $0x4;
	s9 =	sadd.s32 s4, s5;
	s12 =	sadd.s32 $0x4000, s4  }
0x12: {  	s10 =	sadd.s32 s4, s6;
	s4 =	sadd.s32 $0x8000, s4;
	s15 =	sadd.s32 s12, s5  }
.Ltmp0:
0x13: {  	s12 =	sadd.s32 s12, s6;
	[dreg:$0x9] =	wrdreg s15;
	(pc) =	sbr.rel .LBB2_1-.Ltmp0, $4  }
0x14: {  	s17 =	smax.u32 s24, $0x1;
	s25 =	sadd.s32 s4, s5;
	[dreg:$0xa] =	wrdreg s12  }
0x15: {  	s0 =	sadd.s32 s8, s0;
	s4 =	sadd.s32 s4, s6;
	[dreg:$0xb] =	wrdreg s25  }
0x16: {  	s24 =	simm.s32 $0xC100;
	[dreg:$0xc] =	wrdreg s4;
	s15 =	sadd.s32 $0x1400, s0  }
0x17: {  	v0 =	vmov s11;
	v1 =	vmov s26;
	s16 =	sadd.s32 $0x28C00, s0;
	s25 =	simm.s32 $0x3;
	s0 =	simm.s32 $0x0  }
.LBB2_11:
0x18: {  	s3 =	sshll.u32 s14, $0x6  }
0x19: {  	[bflag:$0x0] =	sbarrier.arrive $0xFFFF;
	s4 =	sshrl.u32 s9, $0x3;
	s3 =	sor.u32 $0x1C07, s3  }
0x1a: {  	[hbm:s15], [sflag:s3] =	dma.local [spmem:s4], $0x1400  }
0x1b: {  	s0 =	sadd.s32 $0x1, s0;
	_ =	swait.ge [sflag:s18], $0x1400  }
0x1c: {  	p1 =	sne.s32 s0, s17;
	[sflag:s18] =	ssyncset.done $0x0  }
.Ltmp1:
0x1d: {  	s26 =	sshrl.u32 s10, $0x3;
	[sflag:s18] =	ssyncadd.s32 $0xFFFFEC00;
	(pc) =	sbr.rel @!p1 .LBB2_12-.Ltmp1, $4  }
0x1e: {  	[hbm:s16], [sflag:s3] =	dma.local [spmem:s26], $0x1400  }
0x1f: {  	_ =	swait.ge [sflag:s18], $0x1400  }
0x20: {  	[sflag:s18] =	ssyncset.done $0x0  }
0x21: {  	[sflag:s18] =	ssyncadd.s32 $0xFFFFEC00  }
.LBB2_1:
0x22: {  	[tilespmem:s7], [sflag:$0x7] =	stream.linear.gather [hbm4b:s13+s7], $0x4000, $0x38;
	[tilespmem:$0x1FE00] =	vst v63  }
0x23: {  	_ =	swait.ge [sflag:s18], $0x4000  }
0x24: {  	[sflag:s18] =	ssyncset.done $0x0  }
0x25: {  	[sflag:s18] =	ssyncadd.s32 $0xFFFFC000  }
0x26: {  	[spmem:s9] =	stream.linear.scatter [tilespmem:s7], [sflag:$0x7], $0x4000, $0x38;
	[tilespmem:$0x1FE00] =	vst v63  }
0x27: {  	_ =	swait.ge [sflag:s18], $0x4000  }
0x28: {  	[sflag:s18] =	ssyncset.done $0x0  }
0x29: {  	[sflag:s18] =	ssyncadd.s32 $0xFFFFC000  }
0x2a: {  	[spmem:s10] =	stream.linear.scatter [tilespmem:s7], [sflag:$0x7], $0x4000, $0x38;
	[tilespmem:$0x1FE00] =	vst v63  }
0x2b: {  	_ =	swait.ge [sflag:s18], $0x4000  }
0x2c: {  	[sflag:s18] =	ssyncset.done $0x0  }
0x2d: {  	s3 =	rddreg [dreg:$0x9];
	[sflag:s18] =	ssyncadd.s32 $0xFFFFC000  }
0x2e: {  	[spmem:s3] =	stream.linear.scatter [tilespmem:s7], [sflag:$0x7], $0x4000, $0x38;
	[tilespmem:$0x1FE00] =	vst v63  }
0x2f: {  	_ =	swait.ge [sflag:s18], $0x4000  }
0x30: {  	[sflag:s18] =	ssyncset.done $0x0  }
0x31: {  	s4 =	rddreg [dreg:$0xa];
	[sflag:s18] =	ssyncadd.s32 $0xFFFFC000  }
0x32: {  	[spmem:s4] =	stream.linear.scatter [tilespmem:s7], [sflag:$0x7], $0x4000, $0x38;
	[tilespmem:$0x1FE00] =	vst v63  }
0x33: {  	_ =	swait.ge [sflag:s18], $0x4000  }
0x34: {  	[sflag:s18] =	ssyncset.done $0x0  }
0x35: {  	s8 =	rddreg [dreg:$0xb];
	[sflag:s18] =	ssyncadd.s32 $0xFFFFC000  }
0x36: {  	[spmem:s8] =	stream.linear.scatter [tilespmem:s7], [sflag:$0x7], $0x2000, $0x38;
	[tilespmem:$0x1FE00] =	vst v63  }
0x37: {  	_ =	swait.ge [sflag:s18], $0x2000  }
0x38: {  	[sflag:s18] =	ssyncset.done $0x0  }
0x39: {  	s11 =	rddreg [dreg:$0xc];
	[sflag:s18] =	ssyncadd.s32 $0xFFFFE000  }
0x3a: {  	[spmem:s11] =	stream.linear.scatter [tilespmem:s7], [sflag:$0x7], $0x2000, $0x38;
	[tilespmem:$0x1FE00] =	vst v63  }
0x3b: {  	_ =	swait.ge [sflag:s18], $0x2000  }
0x3c: {  	[sflag:s18] =	ssyncset.done $0x0  }
0x3d: {  	s12 =	rddreg [dreg:$0x8];
	[sflag:s18] =	ssyncadd.s32 $0xFFFFE000  }
0x3e: {  	[tilespmem:s19], [sflag:$0x7] =	stream.linear.gather [hbm4b:s12+s7], $0x4000, $0x38;
	[tilespmem:$0x1FE00] =	vst v63  }
0x3f: {  	s26 =	simm.s32 $0x4E20;
	_ =	swait.ge [sflag:s18], $0x4000  }
0x40: {  	s3 =	sand.u32 $0x1FFFFFF0, s26;
	[sflag:s18] =	ssyncset.done $0x0  }
0x41: {  	s3 =	sadd.s32 s2, s3;
	[sflag:s18] =	ssyncadd.s32 $0xFFFFC000  }
0x42: {  	[tilespmem:s20], [sflag:$0x7] =	stream.linear.gather [hbm4b:s3+s7], $0x10, $0x38;
	[tilespmem:$0x1FE00] =	vst v63  }
0x43: {  	_ =	swait.ge [sflag:s18], $0x10  }
0x44: {  	[sflag:s18] =	ssyncset.done $0x0  }
0x45: {  	[sflag:s18] =	ssyncadd.s32 $0xFFFFFFF0  }
0x46: {  	v2 =	vld [tilespmem:$0xC000];
	_ =	sdelay $0x4  }
0x47: {  	(v2sf) =	vpush v2, $0x0;
	_ =	sdelay $0xd  }
0x48: {  	s26 =	simm.s32 $0x4E2  }
0x49: {  	s4 =	simm.s32 $0xB;
	s11 =	simm.s32 $0x0;
	s8 =	spop (v2sf)  }
0x4a: {  	s3 =	simm.s32 $0x9C4;
	p2 =	sgt.s32 s8, $0x1387;
	s8 =	simm.s32 $0x4E3  }
.LBB2_2:
0x4b: {  	p1 =	sne.s32 s4, $0x1;
	s8 =	smov.u32 @p2 s11;
	s3 =	smov.u32 @p2 s26  }
0x4c: {  	s4 =	sadd.s32 $0xFFFFFFFF, s4;
	s11 =	sadd.s32 s8, s3  }
0x4d: {  	s26 =	sshrl.u32 s11, $0x1F  }
0x4e: {  	s11 =	sadd.s32 s26, s11  }
0x4f: {  	s26 =	sshra.s32 s11, $0x1  }
0x50: {  	s11 =	sshll.u32 s26, $0x4  }
0x51: {  	s11 =	sand.u32 $0x1FFFFFF0, s11  }
0x52: {  	s11 =	sadd.s32 s2, s11  }
0x53: {  	[tilespmem:s20], [sflag:$0x7] =	stream.linear.gather [hbm4b:s11+s7], $0x10, $0x38;
	[tilespmem:$0x1FE00] =	vst v63  }
0x54: {  	_ =	swait.ge [sflag:s18], $0x10  }
0x55: {  	[sflag:s18] =	ssyncset.done $0x0  }
0x56: {  	[sflag:s18] =	ssyncadd.s32 $0xFFFFFFF0  }
0x57: {  	v2 =	vld [tilespmem:$0xC000];
	_ =	sdelay $0x4  }
0x58: {  	(v2sf) =	vpush v2, $0x0;
	_ =	sdelay $0xb  }
.Ltmp2:
0x59: {  	(pc) =	sbr.rel @p1 .LBB2_2-.Ltmp2, $3  }
0x5a: {  	_ =	sdelay $0x1  }
0x5b: {  	s12 =	sadd.s32 $0x1, s26;
	s11 =	spop (v2sf)  }
0x5c: {  	p2 =	sgt.s32 s11, $0x1387;
	s11 =	smov.u32 s8;
	s8 =	smov.u32 s12  }
0x5d: {  	s3 =	smov.u32 @p2 s26  }
0x5e: {  	s4 =	sadd.s32 $0xFFFFFFFF, s3  }
0x5f: {  	p1 =	sgt.s32 s4, $0x0  }
0x60: {  	s4 =	simm.s32 @!p1 $0x0  }
0x61: {  	s4 =	simm.s32 @p0 $0x0  }
0x62: {  	s3 =	simm.s32 @!p0 $0x9C4;
	s8 =	sadd.s32 s14, s4  }
0x63: {  	s3 =	ssub.s32 s3, s8  }
0x64: {  	s3 =	sadd.s32 $0xF, s3  }
0x65: {  	p1 =	slt.s32 s3, $0x10  }
.Ltmp3:
0x66: {  	_ = 	snop;
	(pc) =	sbr.rel @p1 .LBB2_11-.Ltmp3, $2  }
0x67: {  	_ =	sdelay $0x1  }
0x68: {  	[bflag:$0x0] =	sbarrier.arrive $0xFFFF;
	_ =	sdelay $0x1  }
0x69: {  	s4 =	sshra.s32 s3, $0x1F  }
0x6a: {  	s11 =	sshll.u32 s8, $0x4;
	s4 =	sshrl.u32 s4, $0x1C  }
0x6b: {  	s11 =	sand.u32 $0x1FFFFFF0, s11;
	s26 =	sadd.s32 s4, s3  }
0x6c: {  	s11 =	sadd.s32 s2, s11;
	s26 =	sshra.s32 s26, $0x4  }
0x6d: {  	[tilespmem:s20], [sflag:$0x7] =	stream.linear.gather [hbm4b:s11+s7], $0x80, $0x38;
	[tilespmem:$0x1FE00] =	vst v63  }
0x6e: {  	p1 =	sgt.s32 s26, $0x0  }
0x6f: {  	s26 =	simm.s32 @!p1 $0x0  }
0x70: {  	s4 =	sadd.s32 $0xFFFFFFFF, s26  }
0x71: {  	p1 =	slt.s32 s4, $0x1;
	s3 =	smov.u32 s4  }
0x72: {  	s3 =	simm.s32 @!p1 $0x1  }
0x73: {  	s14 =	smov.u32 s13;
	s13 =	sshll.u32 s8, $0x7;
	s12 =	sshll.u32 s3, $0xB  }
0x74: {  	_ =	swait.ge [sflag:s18], $0x80;
	s11 =	sadd.s32 s13, s12  }
0x75: {  	[sflag:s18] =	ssyncset.done $0x0;
	s12 =	sshrl.u32 s11, $0x3  }
0x76: {  	[sflag:s18] =	ssyncadd.s32 $0xFFFFFF80;
	s12 =	sadd.s32 s2, s12  }
0x77: {  	[tilespmem:s21], [sflag:$0x7] =	stream.linear.gather [hbm4b:s12+s7], $0x80, $0x38;
	[tilespmem:$0x1FE00] =	vst v63  }
0x78: {  	s3 =	sshll.u32 s8, $0xB;
	_ =	swait.ge [sflag:s18], $0x80  }
0x79: {  	s8 =	sand.u32 $0x1FFFF800, s3;
	[sflag:s18] =	ssyncset.done $0x0  }
0x7a: {  	s8 =	sadd.s32 s1, s8;
	s12 =	sshll.u32 s11, $0x4;
	[sflag:s18] =	ssyncadd.s32 $0xFFFFFF80  }
0x7b: {  	[tilespmem:s7], [sflag:$0x1] =	stream.linear.gather [hbm4b:s8+s7], $0x4000, $0x38;
	[tilespmem:$0x1FE00] =	vst v63  }
0x7c: {  	s8 =	sadd.s32 s1, s12  }
0x7d: {  	[tilespmem:s22], [sflag:$0x2] =	stream.linear.gather [hbm4b:s8+s7], $0x4000, $0x38;
	[tilespmem:$0x1FE00] =	vst v63  }
0x7e: {  	s8 =	sshrl.u32 s26, $0x1  }
0x7f: {  	p1 =	seq.s32 s8, $0x0  }
.Ltmp4:
0x80: {  	_ = 	snop;
	(pc) =	sbr.rel @p1 .LBB2_5-.Ltmp4, $1  }
0x81: {  	_ =	sdelay $0x3  }
0x82: {  	s8 =	sshll.u32 s8, $0x1  }
0x83: {  	[dreg:$0x7] =	wrdreg s8;
	s8 =	simm.s32 $0x0  }
.LBB2_7:
0x84: {  	p1 =	seq.s32 s8, $0x0  }
0x85: {  	s11 =	simm.s32 @!p1 $0x4  }
0x86: {  	_ =	swait.ge @!p1 [sflag:s11], $0x4000  }
0x87: {  	[sflag:s11] =	ssyncset.done @!p1 $0x0  }
0x88: {  	[sflag:s11] =	ssyncadd.s32 @!p1 $0xFFFFC000;
	s11 =	simm.s32 @!p1 $0x6  }
0x89: {  	_ =	swait.ge @!p1 [sflag:s11], $0x4000  }
0x8a: {  	[sflag:s11] =	ssyncset.done @!p1 $0x0  }
0x8b: {  	[sflag:s11] =	ssyncadd.s32 @!p1 $0xFFFFC000  }
0x8c: {  	v2 =	vld [tilespmem:$0xC000]  }
0x8d: {  	v3 =	vld [tilespmem:$0xC010]  }
0x8e: {  	v4 =	vld [tilespmem:$0xC020]  }
0x8f: {  	v5 =	vld [tilespmem:$0xC030]  }
0x90: {  	v6 =	vld [tilespmem:$0xC040]  }
0x91: {  	v7 =	vld [tilespmem:$0xC050]  }
0x92: {  	v8 =	vld [tilespmem:$0xC060]  }
0x93: {  	v10 =	vld [tilespmem:$0xC080];
	vm0 =	vge.s32 v2, v0  }
0x94: {  	v11 =	vld [tilespmem:$0xC090];
	vm1 =	vlt.s32 v2, v1;
	vm2 =	vge.s32 v3, v0;
	vm3 =	vlt.s32 v3, v1  }
0x95: {  	v55 =	vld [tilespmem:$0xC0B0];
	v2 =	vsub.s32 v2, v0;
	v3 =	vsub.s32 v3, v0;
	vm12 =	vge.s32 v4, v0  }
0x96: {  	v57 =	vld [tilespmem:$0xC0C0];
	vm13 =	vlt.s32 v4, v1;
	v4 =	vsub.s32 v4, v0;
	vm15 =	vge.s32 v5, v0  }
0x97: {  	vm4 =	vlt.s32 v5, v1;
	v5 =	vsub.s32 v5, v0;
	vm6 =	vge.s32 v6, v0  }
0x98: {  	v9 =	vld [tilespmem:$0xC070];
	vm7 =	vlt.s32 v6, v1;
	vm8 =	vge.s32 v7, v0;
	vm9 =	vlt.s32 v7, v1  }
0x99: {  	v6 =	vsub.s32 v6, v0;
	v7 =	vsub.s32 v7, v0;
	vm10 =	vge.s32 v8, v0  }
0x9a: {  	v56 =	vsub.s32 v10, v0;
	v58 =	vsub.s32 v11, v0;
	v61 =	vsub.s32 v55, v0  }
0x9b: {  	v63 =	vsub.s32 v57, v0;
	vm0 =	vmand vm0, vm1;
	vm11 =	vmand vm2, vm3  }
0x9c: {  	vm14 =	vmand vm12, vm13;
	vm5 =	vmand vm15, vm4;
	vm1 =	vmand vm8, vm9  }
0x9d: {  	v12 =	vld [tilespmem:$0xC0A0];
	vm12 =	vge.s32 v9, v0;
	vm13 =	vlt.s32 v9, v1;
	vm15 =	vge.s32 v10, v0  }
0x9e: {  	vm8 =	vge.s32 v11, v0;
	vm9 =	vlt.s32 v11, v1;
	v2 =	vnsel vm0, $0x1388, v2  }
0x9f: {  	v3 =	vnsel vm11, $0x1388, v3;
	v4 =	vnsel vm14, $0x1388, v4;
	v5 =	vnsel vm5, $0x1388, v5  }
0xa0: {  	v59 =	vld [tilespmem:$0xC0D0];
	vm0 =	vmand vm6, vm7;
	v7 =	vnsel vm1, $0x1388, v7;
	vm11 =	vlt.s32 v8, v1;
	[tilespmem:$0xC100] =	vst v2  }
0xa1: {  	v8 =	vsub.s32 v8, v0;
	vm14 =	vmand vm12, vm13;
	vm6 =	vlt.s32 v10, v1;
	[tilespmem:$0xC110] =	vst v3  }
0xa2: {  	vm12 =	vlt.s32 v12, v1;
	vm13 =	vge.s32 v55, v0;
	v6 =	vnsel vm0, $0x1388, v6;
	[tilespmem:$0xC120] =	vst v4  }
0xa3: {  	v60 =	vld [tilespmem:$0xC0E0];
	vm0 =	vmand vm10, vm11;
	v2 =	vsub.s32 v9, v0;
	vm7 =	vmand vm15, vm6;
	[tilespmem:$0xC130] =	vst v5  }
0xa4: {  	vm10 =	vmand vm8, vm9;
	vm11 =	vge.s32 v12, v0;
	[tilespmem:$0xC150] =	vst v7;
	vm15 =	vge.s32 v57, v0  }
0xa5: {  	vm6 =	vlt.s32 v57, v1;
	vm8 =	vlt.s32 v59, v1;
	v3 =	vnsel vm0, $0x1388, v8;
	[tilespmem:$0xC140] =	vst v6  }
0xa6: {  	v62 =	vld [tilespmem:$0xC0F0];
	v2 =	vnsel vm14, $0x1388, v2;
	v4 =	vnsel vm7, $0x1388, v56;
	v5 =	vnsel vm10, $0x1388, v58;
	[tilespmem:$0xC160] =	vst v3  }
0xa7: {  	vm0 =	vmand vm11, vm12;
	vm14 =	vlt.s32 v55, v1;
	vm7 =	vge.s32 v59, v0;
	[tilespmem:$0xC170] =	vst v2  }
0xa8: {  	vm10 =	vge.s32 v60, v0;
	vm11 =	vlt.s32 v60, v1;
	v3 =	vsub.s32 v12, v0;
	[tilespmem:$0xC180] =	vst v4  }
0xa9: {  	vm1 =	vmand vm13, vm14;
	[tilespmem:$0xC190] =	vst v5;
	vm9 =	vmand vm7, vm8;
	v2 =	vnsel vm0, $0x1388, v3  }
0xaa: {  	vm12 =	vmand vm10, vm11;
	v3 =	vnsel vm1, $0x1388, v61;
	vm0 =	vmand vm15, vm6;
	[tilespmem:$0xC1A0] =	vst v2  }
0xab: {  	vm13 =	vge.s32 v62, v0;
	v2 =	vsub.s32 v59, v0;
	v4 =	vnsel vm0, $0x1388, v63;
	[tilespmem:$0xC1B0] =	vst v3  }
0xac: {  	vm14 =	vlt.s32 v62, v1;
	v3 =	vsub.s32 v60, v0;
	v2 =	vnsel vm9, $0x1388, v2;
	[tilespmem:$0xC1C0] =	vst v4  }
0xad: {  	vm15 =	vmand vm13, vm14;
	v3 =	vnsel vm12, $0x1388, v3;
	[tilespmem:$0xC1D0] =	vst v2;
	v2 =	vsub.s32 v62, v0  }
0xae: {  	[tilespmem:$0xC1E0] =	vst v3;
	v2 =	vnsel vm15, $0x1388, v2  }
0xaf: {  	[tilespmem:$0xC1F0] =	vst v2  }
0xb0: {  	_ =	swait.ge [sflag:s28], $0x4000  }
0xb1: {  	[sflag:s28] =	ssyncset.done $0x0  }
0xb2: {  	s11 =	sadd.s32 $0x2, s8;
	[sflag:s28] =	ssyncadd.s32 $0xFFFFC000  }
0xb3: {  	[spmem:s5] =	stream.indirect.scatter.add.f32 [tilespmem:s7], [sflag:$0x3], $0x80, s24, s23, $0xb8;
	[tilespmem:$0x1FE00] =	vst v63  }
0xb4: {  	s12 =	smov.u32 s4;
	p1 =	slt.s32 s11, s4  }
0xb5: {  	[spmem:s6] =	stream.indirect.scatter.add.f32 [tilespmem:s19], [sflag:$0x4], $0x80, s24, s23, $0xb8;
	[tilespmem:$0x1FE00] =	vst v63  }
0xb6: {  	s3 =	smov.u32 s4;
	s12 =	smov.u32 @p1 s11;
	_ =	swait.ge [sflag:s29], $0x4000  }
0xb7: {  	s8 =	sadd.s32 $0x3, s8;
	s12 =	sshll.u32 s12, $0xB;
	[sflag:s29] =	ssyncset.done $0x0  }
0xb8: {  	p1 =	slt.s32 s8, s4;
	s12 =	sadd.s32 s13, s12;
	[sflag:s29] =	ssyncadd.s32 $0xFFFFC000  }
0xb9: {  	[spmem:s5] =	stream.indirect.scatter.add.f32 [tilespmem:s22], [sflag:$0x5], $0x80, s30, s23, $0xb8;
	[tilespmem:$0x1FE00] =	vst v63  }
0xba: {  	s3 =	smov.u32 @p1 s8;
	s8 =	sshrl.u32 s12, $0x3  }
0xbb: {  	[spmem:s6] =	stream.indirect.scatter.add.f32 [tilespmem:s19], [sflag:$0x6], $0x80, s30, s23, $0xb8;
	[tilespmem:$0x1FE00] =	vst v63  }
0xbc: {  	s3 =	sshll.u32 s3, $0xB;
	s8 =	sadd.s32 s2, s8  }
0xbd: {  	[tilespmem:s20], [sflag:$0x7] =	stream.linear.gather [hbm4b:s8+s7], $0x80, $0x38;
	[tilespmem:$0x1FE00] =	vst v63  }
0xbe: {  	s3 =	sadd.s32 s13, s3;
	_ =	swait.ge [sflag:s18], $0x80  }
0xbf: {  	s8 =	sshrl.u32 s3, $0x3;
	[sflag:s18] =	ssyncset.done $0x0  }
0xc0: {  	s8 =	sadd.s32 s2, s8;
	[sflag:s18] =	ssyncadd.s32 $0xFFFFFF80  }
0xc1: {  	[tilespmem:s21], [sflag:$0x7] =	stream.linear.gather [hbm4b:s8+s7], $0x80, $0x38;
	[tilespmem:$0x1FE00] =	vst v63  }
0xc2: {  	_ =	swait.ge [sflag:s18], $0x80  }
0xc3: {  	[sflag:s18] =	ssyncset.done $0x0  }
0xc4: {  	[sflag:s18] =	ssyncadd.s32 $0xFFFFFF80  }
0xc5: {  	_ =	swait.ge [sflag:s25], $0x4000  }
0xc6: {  	s12 =	sshll.u32 s12, $0x4;
	[sflag:s25] =	ssyncset.done $0x0  }
0xc7: {  	s8 =	sadd.s32 s1, s12;
	[sflag:s25] =	ssyncadd.s32 $0xFFFFC000  }
0xc8: {  	[tilespmem:s7], [sflag:$0x1] =	stream.linear.gather [hbm4b:s8+s7], $0x4000, $0x38;
	[tilespmem:$0x1FE00] =	vst v63  }
0xc9: {  	_ =	swait.ge [sflag:s31], $0x4000  }
0xca: {  	s12 =	rddreg [dreg:$0x7]  }
0xcb: {  	p1 =	sne.s32 s12, s11  }
.Ltmp5:
0xcc: {  	_ = 	snop;
	(pc) =	sbr.rel @p1 .LBB2_7-.Ltmp5, $4  }
0xcd: {  	_ = 	snop  }
0xce: {  	s3 =	sshll.u32 s3, $0x4;
	[sflag:s31] =	ssyncset.done $0x0  }
0xcf: {  	s3 =	sadd.s32 s1, s3;
	s8 =	smov.u32 s11;
	[sflag:s31] =	ssyncadd.s32 $0xFFFFC000  }
0xd0: {  	[tilespmem:s22], [sflag:$0x2] =	stream.linear.gather [hbm4b:s3+s7], $0x4000, $0x38;
	[tilespmem:$0x1FE00] =	vst v63  }
0xd1: {  	_ =	swait.ge [sflag:s28], $0x4000  }
.Ltmp6:
0xd2: {  	[sflag:s28] =	ssyncset.done $0x0;
	(pc) =	sbr.rel .LBB2_9-.Ltmp6, $4  }
0xd3: {  	[sflag:s28] =	ssyncadd.s32 $0xFFFFC000  }
0xd4: {  	_ =	swait.ge [sflag:s29], $0x4000  }
0xd5: {  	[sflag:s29] =	ssyncset.done $0x0  }
0xd6: {  	s3 =	simm.s32 $0x6;
	s4 =	simm.s32 $0x4;
	[sflag:s29] =	ssyncadd.s32 $0xFFFFC000  }
.LBB2_5:
0xd7: {  	s3 =	simm.s32 $0x2;
	s4 =	simm.s32 $0x1  }
.LBB2_9:
0xd8: {  	s26 =	sand.u32 $0x1, s26  }
0xd9: {  	_ =	swait.ge [sflag:s4], $0x4000;
	p1 =	seq.s32 s26, $0x0  }
.Ltmp7:
0xda: {  	[sflag:s4] =	ssyncset.done $0x0;
	(pc) =	sbr.rel @p1 .LBB2_11-.Ltmp7, $4  }
0xdb: {  	[sflag:s4] =	ssyncadd.s32 $0xFFFFC000  }
0xdc: {  	_ =	swait.ge [sflag:s3], $0x4000  }
0xdd: {  	[sflag:s3] =	ssyncset.done $0x0  }
0xde: {  	s13 =	smov.u32 s14;
	s14 =	stileid.u32;
	[sflag:s3] =	ssyncadd.s32 $0xFFFFC000  }
0xdf: {  	v2 =	vld [tilespmem:$0xC000]  }
0xe0: {  	v3 =	vld [tilespmem:$0xC010]  }
0xe1: {  	v4 =	vld [tilespmem:$0xC020]  }
0xe2: {  	v5 =	vld [tilespmem:$0xC030]  }
0xe3: {  	v6 =	vld [tilespmem:$0xC040]  }
0xe4: {  	v7 =	vld [tilespmem:$0xC050]  }
0xe5: {  	v8 =	vld [tilespmem:$0xC060];
	vm0 =	vge.s32 v2, v0;
	vm1 =	vlt.s32 v2, v1;
	v2 =	vsub.s32 v2, v0  }
0xe6: {  	vm12 =	vge.s32 v3, v0;
	vm2 =	vlt.s32 v3, v1;
	v3 =	vsub.s32 v3, v0  }
0xe7: {  	vm14 =	vge.s32 v4, v0;
	vm15 =	vlt.s32 v4, v1;
	vm4 =	vge.s32 v5, v0  }
0xe8: {  	vm5 =	vlt.s32 v5, v1;
	v4 =	vsub.s32 v4, v0;
	v5 =	vsub.s32 v5, v0  }
0xe9: {  	vm6 =	vge.s32 v6, v0;
	vm7 =	vlt.s32 v6, v1;
	vm8 =	vge.s32 v7, v0  }
0xea: {  	v9 =	vld [tilespmem:$0xC070];
	vm3 =	vlt.s32 v7, v1;
	vm10 =	vge.s32 v8, v0;
	vm0 =	vmand vm0, vm1  }
0xeb: {  	vm11 =	vlt.s32 v8, v1;
	vm13 =	vmand vm12, vm2;
	v2 =	vnsel vm0, $0x1388, v2  }
0xec: {  	vm1 =	vmand vm4, vm5;
	vm9 =	vmand vm8, vm3;
	v3 =	vnsel vm13, $0x1388, v3;
	[tilespmem:$0xC100] =	vst v2  }
0xed: {  	vm12 =	vmand vm10, vm11;
	vm0 =	vmand vm14, vm15;
	v5 =	vnsel vm1, $0x1388, v5;
	[tilespmem:$0xC110] =	vst v3  }
0xee: {  	v4 =	vnsel vm0, $0x1388, v4;
	vm0 =	vmand vm6, vm7;
	v2 =	vsub.s32 v6, v0;
	[tilespmem:$0xC130] =	vst v5  }
0xef: {  	vm13 =	vge.s32 v9, v0;
	v3 =	vsub.s32 v7, v0;
	[tilespmem:$0xC120] =	vst v4;
	v2 =	vnsel vm0, $0x1388, v2  }
0xf0: {  	vm14 =	vlt.s32 v9, v1;
	v3 =	vnsel vm9, $0x1388, v3;
	[tilespmem:$0xC140] =	vst v2;
	v2 =	vsub.s32 v8, v0  }
0xf1: {  	vm15 =	vmand vm13, vm14;
	[tilespmem:$0xC150] =	vst v3;
	v3 =	vsub.s32 v9, v0;
	v2 =	vnsel vm12, $0x1388, v2  }
0xf2: {  	[tilespmem:$0xC160] =	vst v2;
	v2 =	vnsel vm15, $0x1388, v3  }
0xf3: {  	[tilespmem:$0xC170] =	vst v2  }
0xf4: {  	[spmem:s5] =	stream.indirect.scatter.add.f32 [tilespmem:s7], [sflag:$0x3], $0x80, s24, s23, $0xb8;
	[tilespmem:$0x1FE00] =	vst v63  }
0xf5: {  	_ = 	snop  }
0xf6: {  	[spmem:s6] =	stream.indirect.scatter.add.f32 [tilespmem:s19], [sflag:$0x4], $0x80, s24, s23, $0xb8;
	[tilespmem:$0x1FE00] =	vst v63  }
0xf7: {  	_ =	swait.ge [sflag:s25], $0x4000  }
.Ltmp8:
0xf8: {  	[sflag:s25] =	ssyncset.done $0x0;
	(pc) =	sbr.rel .LBB2_11-.Ltmp8, $4  }
0xf9: {  	s3 =	simm.s32 $0x4;
	[sflag:s25] =	ssyncadd.s32 $0xFFFFC000  }
0xfa: {  	_ =	swait.ge [sflag:s3], $0x4000  }
0xfb: {  	[sflag:s3] =	ssyncset.done $0x0  }
0xfc: {  	[sflag:s3] =	ssyncadd.s32 $0xFFFFC000  }
.LBB2_12:
0xfd: {  	_ =	sfence.sel $0x180000  }
0xfe: {  	[bflag:$0x0] =	sbarrier.arrive $0xFFFF  }
0xff: {  	_ =	strace $0x90000047  }
0x100: {  	[bflag:$0x2] =	sbarrier.arrive $0xFFFF  }
0x101: {  	p0 =	sne.s32 s14, $0x0;
	s0 =	rddreg [dreg:$0x6]  }
0x102: {  	s0 =	sadd.s32 @!p0 $0x100000, s0  }
0x103: {  	[sflag:s0] =	ssyncadd.tile.s32 @!p0 $0x1;
	_ =	shalt  }
.Lfunc_end2:
_tile_overlayer_lowered:
.L_overlay_start_2:
0x104: {  	(tag) =	ssettag $0x2  }
0x105: {  	s0 =	rddreg [dreg:$0x0];
	s2 =	stileid.u32  }
0x106: {  	s1 =	rddreg [dreg:$0x1];
	p0 =	sne.s32 s2, $0x0  }
0x107: {  	s3 =	rddreg [dreg:$0x2];
	[bflag:$0x3] =	sbarrier.arrive $0xFFFF;
	s2 =	simm.s32 @!p0 $0x1C07  }
0x108: {  	[timem:s3], [sflag:s2] =	dma.local @!p0 [hbm:s0], s1  }
0x109: {  	s0 =	simm.s32 @!p0 $0x7  }
0x10a: {  	_ =	swait.ge @!p0 [sflag:s0], s1  }
0x10b: {  	s1 =	ssub.s32 @!p0 $0x0, s1;
	[sflag:s0] =	ssyncset.done @!p0 $0x0  }
0x10c: {  	[sflag:s0] =	ssyncadd.s32 @!p0 s1  }
0x10d: {  	[bflag:$0x3] =	sbarrier.arrive $0xFFFF  }
0x10e: {  	_ =	shalt  }

</sc_bundles>
